<compile_context>
chip_gen: v7x
topology: tpu7x:2x2x1
jax: 0.10.2.dev20260603
libtpu: 0.0.44.dev20260713+nightly
codegen_flags: <defaults>
</compile_context>

<pallas_src>
import functools

import jax
import jax.numpy as jnp
from jax import lax
from jax.experimental import pallas as pl
from jax.experimental.pallas import tpu as pltpu
from jax.experimental.pallas import tpu_sc as plsc

E = 8
H = 1024
I = 2048
T = 2048

BT = 256
NB = 2 * T // BT + E - 1
NBPAD = 32
PAD_A = NB * BT
BI = 512
NI = I // BI

NC = 2
NS = 16
NW = NC * NS
TPW = T // NW
_F32 = jnp.float32
_I32 = jnp.int32


def _route_body(x_ref, rw_ref, w_ref, xbf_ref, d0_ref, d1_ref, be_ref):
    x = x_ref[...]
    xbf_ref[...] = x.astype(jnp.bfloat16)
    logits = lax.dot_general(x, rw_ref[...], (((1,), (1,)), ((), ())),
                             preferred_element_type=_F32)
    m = jnp.max(logits, axis=-1, keepdims=True)
    p = jnp.exp(logits - m)
    p = p / jnp.sum(p, axis=-1, keepdims=True)
    neg = jnp.full((T, 1), -jnp.inf, _F32)
    m1, m2 = neg, neg
    i1 = jnp.zeros((T, 1), _I32)
    i2 = jnp.zeros((T, 1), _I32)
    for e in range(E):
        v = p[:, e:e + 1]
        gt1 = v > m1
        gt2 = v > m2
        i2 = jnp.where(gt1, i1, jnp.where(gt2, e, i2))
        m2 = jnp.where(gt1, m1, jnp.where(gt2, v, m2))
        i1 = jnp.where(gt1, e, i1)
        m1 = jnp.where(gt1, v, m1)
    w_ref[...] = jnp.concatenate([m1, m2], axis=1)

    lane = lax.broadcasted_iota(_I32, (T, E), 1)
    sel1 = lane == i1
    sel2 = lane == i2
    addmat = (sel1 | sel2).astype(_F32)
    tc = 256
    nchunk = T // tc
    r = lax.broadcasted_iota(_I32, (tc, tc), 0)
    c = lax.broadcasted_iota(_I32, (tc, tc), 1)
    tri = (r > c).astype(_F32)
    pieces = []
    off = jnp.zeros((1, E), _F32)
    for ci in range(nchunk):
        blk = addmat[ci * tc:(ci + 1) * tc, :]
        within = lax.dot_general(tri, blk, (((1,), (0,)), ((), ())),
                                 preferred_element_type=_F32)
        pieces.append(within + off)
        off = off + jnp.sum(blk, axis=0, keepdims=True)
    cntex = jnp.concatenate(pieces, axis=0)
    tot = off
    nb = jnp.ceil(tot / BT)
    cum = nb
    for s in (1, 2, 4):
        cum = cum + jnp.concatenate(
            [jnp.zeros((1, s), _F32), cum[:, :E - s]], axis=1)
    bstart = cum - nb
    slot0 = bstart * BT
    mat = slot0 + cntex
    dest1 = jnp.sum(jnp.where(sel1, mat, 0.0), axis=1, keepdims=True)
    dest2 = jnp.sum(jnp.where(sel2, mat, 0.0), axis=1, keepdims=True)
    d0_ref[...] = dest1.astype(_I32)
    d1_ref[...] = dest2.astype(_I32)

    jlane = lax.broadcasted_iota(_I32, (1, NBPAD), 1).astype(_F32)
    acc = jnp.zeros((1, NBPAD), _I32)
    for e in range(E):
        acc = acc + (jlane >= bstart[:, e:e + 1]).astype(_I32)
    be_ref[...] = acc - 1


def _route(x, router_w):
    return pl.pallas_call(
        _route_body,
        out_shape=(
            jax.ShapeDtypeStruct((T, 2), _F32),
            jax.ShapeDtypeStruct((T, H), jnp.bfloat16),
            jax.ShapeDtypeStruct((T, 1), _I32),
            jax.ShapeDtypeStruct((T, 1), _I32),
            jax.ShapeDtypeStruct((1, NBPAD), _I32),
        ),
    )(x, router_w)


@functools.lru_cache(maxsize=None)
def _sc_mesh():
    return plsc.VectorSubcoreMesh(
        core_axis_name="c", subcore_axis_name="s",
        num_cores=NC, num_subcores=NS)


def _dispatch_body(x_hbm, df0_hbm, df1_hbm, xs_hbm, xbuf, d0, d1, sem):
    wid = lax.axis_index("s") * NC + lax.axis_index("c")
    base = wid * TPW
    pltpu.sync_copy(x_hbm.at[pl.ds(base, TPW)], xbuf)
    pltpu.sync_copy(df0_hbm.at[pl.ds(base, TPW)], d0)
    pltpu.sync_copy(df1_hbm.at[pl.ds(base, TPW)], d1)
    cp0 = pltpu.async_copy(xbuf, xs_hbm.at[d0], sem)
    cp1 = pltpu.async_copy(xbuf, xs_hbm.at[d1], sem)
    cp0.wait()
    cp1.wait()


def _dispatch(xbf, destf0, destf1):
    xi = lax.bitcast_convert_type(xbf.reshape(T, H // 2, 2), _I32)
    fn = pl.kernel(
        _dispatch_body,
        out_type=jax.ShapeDtypeStruct((PAD_A, H // 2), _I32),
        mesh=_sc_mesh(),
        scratch_types=[
            pltpu.VMEM((TPW, H // 2), _I32),
            pltpu.VMEM((TPW,), _I32),
            pltpu.VMEM((TPW,), _I32),
            pltpu.SemaphoreType.DMA,
        ],
    )
    xs_i = fn(xi, destf0, destf1)
    return lax.bitcast_convert_type(xs_i, jnp.bfloat16).reshape(PAD_A, H)


def _gmm_body(be_ref, xs_ref, wg_ref, wu_ref, w2_ref, ys_ref):
    del be_ref
    i = pl.program_id(0)
    b = pl.program_id(1)
    rows = pl.ds(b * BT, BT)
    xb = xs_ref[rows, :]
    wg = wg_ref[0].astype(jnp.bfloat16)
    wu = wu_ref[0].astype(jnp.bfloat16)
    gate = lax.dot_general(xb, wg, (((1,), (1,)), ((), ())),
                           preferred_element_type=_F32)
    up = lax.dot_general(xb, wu, (((1,), (1,)), ((), ())),
                         preferred_element_type=_F32)
    h = (gate * jax.nn.sigmoid(gate) * up).astype(jnp.bfloat16)
    w2c = w2_ref[0].astype(jnp.bfloat16)
    y = lax.dot_general(h, w2c, (((1,), (1,)), ((), ())),
                        preferred_element_type=_F32)

    @pl.when(i == 0)
    def _set():
        ys_ref[rows, :] = y

    @pl.when(i != 0)
    def _acc():
        ys_ref[rows, :] += y


def _gmm(be_arr, xs, ws, w2s):
    grid_spec = pltpu.PrefetchScalarGridSpec(
        num_scalar_prefetch=1,
        grid=(NI, NB),
        in_specs=[
            pl.BlockSpec((PAD_A, H), lambda i, b, be: (0, 0)),
            pl.BlockSpec((1, BI, H), lambda i, b, be: (be[b], i, 0)),
            pl.BlockSpec((1, BI, H), lambda i, b, be: (be[b], i + NI, 0)),
            pl.BlockSpec((1, H, BI), lambda i, b, be: (be[b], 0, i)),
        ],
        out_specs=pl.BlockSpec((PAD_A, H), lambda i, b, be: (0, 0)),
    )
    return pl.pallas_call(
        _gmm_body,
        grid_spec=grid_spec,
        out_shape=jax.ShapeDtypeStruct((PAD_A, H), _F32),
        compiler_params=pltpu.CompilerParams(
            dimension_semantics=("arbitrary", "arbitrary"),
            vmem_limit_bytes=100 * 1024 * 1024),
    )(be_arr, xs, ws, ws, w2s)


def _combine_body(ys_hbm, df0_hbm, df1_hbm, g_hbm, dva, dvb, buf, sem):
    wid = lax.axis_index("s") * NC + lax.axis_index("c")
    base = wid * TPW
    pltpu.sync_copy(df0_hbm.at[pl.ds(base, TPW)], dva)
    pltpu.sync_copy(df1_hbm.at[pl.ds(base, TPW)], dvb)
    pltpu.async_copy(ys_hbm.at[dva], buf, sem).wait()
    pltpu.sync_copy(buf, g_hbm.at[pl.ds(base, TPW)])
    pltpu.async_copy(ys_hbm.at[dvb], buf, sem).wait()
    pltpu.sync_copy(buf, g_hbm.at[pl.ds(T + base, TPW)])


def _combine(ys, destf0, destf1):
    fn = pl.kernel(
        _combine_body,
        out_type=jax.ShapeDtypeStruct((2 * T, H), _F32),
        mesh=_sc_mesh(),
        scratch_types=[
            pltpu.VMEM((TPW,), _I32),
            pltpu.VMEM((TPW,), _I32),
            pltpu.VMEM((TPW, H), _F32),
            pltpu.SemaphoreType.DMA,
        ],
    )
    return fn(ys, destf0, destf1)


def _wsum_body(w_ref, g0_ref, g1_ref, out_ref):
    out_ref[...] = (w_ref[:, 0:1] * g0_ref[...] +
                    w_ref[:, 1:2] * g1_ref[...])


def _wsum(w2k, g):
    nt = T // BT
    return pl.pallas_call(
        _wsum_body,
        grid=(nt,),
        in_specs=[
            pl.BlockSpec((BT, 2), lambda t: (t, 0)),
            pl.BlockSpec((BT, H), lambda t: (t, 0)),
            pl.BlockSpec((BT, H), lambda t: (t + nt, 0)),
        ],
        out_specs=pl.BlockSpec((BT, H), lambda t: (t, 0)),
        out_shape=jax.ShapeDtypeStruct((T, H), _F32),
    )(w2k, g, g)


def kernel(hidden_states, router_w, ws, w2s):
    x = hidden_states.reshape(T, H)
    w2k, xbf, dest0, dest1, be = _route(x, router_w)
    destf0 = dest0.reshape(T)
    destf1 = dest1.reshape(T)
    be_arr = be.reshape(NBPAD)
    xs = _dispatch(xbf, destf0, destf1)
    ys = _gmm(be_arr, xs, ws, w2s)
    g = _combine(ys, destf0, destf1)
    out = _wsum(w2k, g)
    return out.reshape(T, H)

# --- scband reference (transcript-rebuilt; emitter-appended) ---
"""Pipeline reference for scband-jamba-mo-e-67242007986397 (READ-ONLY COPY).

The authoritative reference and input builder live on the scoring server;
editing this copy changes nothing except your own understanding.
"""

import jax, jax.numpy as jnp
import numpy as np

NUM_EXPERTS = 8
TOP_K = 2
HIDDEN = 1024
INTER = 2048
TOKENS = 2048


def setup_inputs(seed: int = 0) -> dict:
    key = jax.random.key(seed)
    k1, k2, k3, k4 = jax.random.split(key, 4)
    hidden_states = jax.random.normal(k1, (TOKENS, HIDDEN), dtype=jnp.float32)
    # router: ReplicatedLinear(hidden, num_experts, bias=False) -> weight [E, H]
    router_w = jax.random.normal(k2, (NUM_EXPERTS, HIDDEN), dtype=jnp.float32) * 0.02
    # ws: [E, 2*I, H] (gate_proj stacked on up_proj), w2s: [E, H, I]
    ws = jax.random.normal(k3, (NUM_EXPERTS, 2 * INTER, HIDDEN), dtype=jnp.float32) * 0.02
    w2s = jax.random.normal(k4, (NUM_EXPERTS, HIDDEN, INTER), dtype=jnp.float32) * 0.02
    return {"hidden_states": hidden_states, "router_w": router_w, "ws": ws, "w2s": w2s}


def reference(hidden_states, router_w, ws, w2s):
    x = hidden_states.reshape(-1, HIDDEN)
    # router logits
    router_logits = x @ router_w.T  # [T, E]
    # fused_moe semantics: softmax over all experts, then top-k, renormalize=False
    routing_probs = jax.nn.softmax(router_logits.astype(jnp.float32), axis=-1)
    topk_weights, topk_ids = jax.lax.top_k(routing_probs, TOP_K)  # [T, K]
    out = jnp.zeros_like(x)
    for e in range(NUM_EXPERTS):
        w1 = ws[e]  # [2I, H]
        gate = x @ w1[:INTER, :].T  # [T, I]
        up = x @ w1[INTER:, :].T    # [T, I]
        h = jax.nn.silu(gate) * up  # [T, I]
        y = h @ w2s[e].T            # [T, H]
        # per-token weight for this expert (0 if not routed)
        sel = (topk_ids == e).astype(x.dtype)  # [T, K]
        w_e = jnp.sum(topk_weights * sel, axis=-1)  # [T]
        out = out + w_e[:, None] * y
    return out.reshape(TOKENS, HIDDEN)

if __name__ == "__main__":
    import jax
    _d = setup_inputs()
    print(jax.jit(kernel)(*tuple(_d.values())))

</pallas_src>

<mosaic_0001>
#map = affine_map<(d0, d1) -> (0, 0)>
#map1 = affine_map<(d0, d1) -> (0)>
module attributes {stable_mosaic.version = 14 : i64} {
  func.func @_combine_body(%arg0: i32, %arg1: i32, %arg2: memref<5888x1024xf32, #tpu.memory_space<hbm>>, %arg3: memref<2048xi32, #tpu.memory_space<hbm>>, %arg4: memref<2048xi32, #tpu.memory_space<hbm>>, %arg5: memref<4096x1024xf32, #tpu.memory_space<hbm>>, %arg6: memref<64xi32, #tpu.memory_space<vmem>>, %arg7: memref<64xi32, #tpu.memory_space<vmem>>, %arg8: memref<64x1024xf32, #tpu.memory_space<vmem>>, %arg9: memref<!tpu.dma_semaphore, #tpu.memory_space<semaphore_mem>>) attributes {dimension_semantics = [#tpu.dimension_semantics<core_parallel>, #tpu.dimension_semantics<subcore_parallel>], iteration_bounds = array<i64: 2, 16>, scalar_prefetch = 0 : i64, scratch_operands = 4 : i64, tpu.core_type = #tpu.core_type<sc_vector_subcore>, window_params = [{transform_indices = #map}, {transform_indices = #map1}, {transform_indices = #map1}, {transform_indices = #map}]} {
    %mul3A = arith.constant 2 : i32
    %mul3A_0 = arith.muli %arg1, %mul3A : i32
    %add3A = arith.addi %mul3A_0, %arg0 : i32
    %mul3A_1 = arith.constant 64 : i32
    %mul3A_2 = arith.muli %add3A, %mul3A_1 : i32
    "tpu.region"() ({
      %run_scoped3A = tpu.sem_alloc : memref<!tpu.dma_semaphore, #tpu.memory_space<semaphore_mem>>
      %dma_start3A_15 = tpu.memref_slice %arg3[%mul3A_2] : memref<2048xi32, #tpu.memory_space<hbm>> -> memref<64xi32, #tpu.memory_space<hbm>>
      %dma_start3A_16 = tpu.memref_slice %arg3[%mul3A_2] : memref<2048xi32, #tpu.memory_space<hbm>> -> memref<64xi32, #tpu.memory_space<hbm>>
      tpu.enqueue_dma source(%dma_start3A_16 : memref<64xi32, #tpu.memory_space<hbm>>) target(%arg6 : memref<64xi32, #tpu.memory_space<vmem>>) target_semaphore(%run_scoped3A : memref<!tpu.dma_semaphore, #tpu.memory_space<semaphore_mem>>)
      %dma_wait3A_17 = tpu.memref_slice %arg3[%mul3A_2] : memref<2048xi32, #tpu.memory_space<hbm>> -> memref<64xi32, #tpu.memory_space<hbm>>
      %dma_wait3A_18 = tpu.memref_slice %arg3[%mul3A_2] : memref<2048xi32, #tpu.memory_space<hbm>> -> memref<64xi32, #tpu.memory_space<hbm>>
      tpu.wait_dma2 semaphore(%run_scoped3A : memref<!tpu.dma_semaphore, #tpu.memory_space<semaphore_mem>>) src(%dma_wait3A_18 : memref<64xi32, #tpu.memory_space<hbm>>) dst(%arg6 : memref<64xi32, #tpu.memory_space<vmem>>)
      tpu.yield
    }) : () -> ()
    "tpu.region"() ({
      %run_scoped3A = tpu.sem_alloc : memref<!tpu.dma_semaphore, #tpu.memory_space<semaphore_mem>>
      %dma_start3A_15 = tpu.memref_slice %arg4[%mul3A_2] : memref<2048xi32, #tpu.memory_space<hbm>> -> memref<64xi32, #tpu.memory_space<hbm>>
      %dma_start3A_16 = tpu.memref_slice %arg4[%mul3A_2] : memref<2048xi32, #tpu.memory_space<hbm>> -> memref<64xi32, #tpu.memory_space<hbm>>
      tpu.enqueue_dma source(%dma_start3A_16 : memref<64xi32, #tpu.memory_space<hbm>>) target(%arg7 : memref<64xi32, #tpu.memory_space<vmem>>) target_semaphore(%run_scoped3A : memref<!tpu.dma_semaphore, #tpu.memory_space<semaphore_mem>>)
      %dma_wait3A_17 = tpu.memref_slice %arg4[%mul3A_2] : memref<2048xi32, #tpu.memory_space<hbm>> -> memref<64xi32, #tpu.memory_space<hbm>>
      %dma_wait3A_18 = tpu.memref_slice %arg4[%mul3A_2] : memref<2048xi32, #tpu.memory_space<hbm>> -> memref<64xi32, #tpu.memory_space<hbm>>
      tpu.wait_dma2 semaphore(%run_scoped3A : memref<!tpu.dma_semaphore, #tpu.memory_space<semaphore_mem>>) src(%dma_wait3A_18 : memref<64xi32, #tpu.memory_space<hbm>>) dst(%arg7 : memref<64xi32, #tpu.memory_space<vmem>>)
      tpu.yield
    }) : () -> ()
    %dma_start3A = arith.constant 0 : i32
    %dma_start3A_3 = arith.constant 0 : i32
    %dma_start3A_4 = tpu.memref_slice %arg2[%dma_start3A, %dma_start3A_3] : memref<5888x1024xf32, #tpu.memory_space<hbm>> -> memref<5888x1024xf32, #tpu.memory_space<hbm>>
    tpu.enqueue_indirect_dma source(%dma_start3A_4 : memref<5888x1024xf32, #tpu.memory_space<hbm>>) target(%arg8 : memref<64x1024xf32, #tpu.memory_space<vmem>>) offsets(%arg6 : memref<64xi32, #tpu.memory_space<vmem>>) semaphore(%arg9 : memref<!tpu.dma_semaphore, #tpu.memory_space<semaphore_mem>>)
    %dma_wait3A = arith.constant 0 : i32
    %dma_wait3A_5 = arith.constant 0 : i32
    %dma_wait3A_6 = tpu.memref_slice %arg2[%dma_wait3A, %dma_wait3A_5] : memref<5888x1024xf32, #tpu.memory_space<hbm>> -> memref<5888x1024xf32, #tpu.memory_space<hbm>>
    tpu.wait_indirect_dma semaphore(%arg9 : memref<!tpu.dma_semaphore, #tpu.memory_space<semaphore_mem>>) src(%dma_wait3A_6 : memref<5888x1024xf32, #tpu.memory_space<hbm>>) dst(%arg8 : memref<64x1024xf32, #tpu.memory_space<vmem>>)
    "tpu.region"() ({
      %run_scoped3A = tpu.sem_alloc : memref<!tpu.dma_semaphore, #tpu.memory_space<semaphore_mem>>
      %dma_start3A_15 = arith.constant 0 : i32
      %dma_start3A_16 = tpu.memref_slice %arg5[%mul3A_2, %dma_start3A_15] : memref<4096x1024xf32, #tpu.memory_space<hbm>> -> memref<64x1024xf32, #tpu.memory_space<hbm>>
      %dma_start3A_17 = arith.constant 0 : i32
      %dma_start3A_18 = tpu.memref_slice %arg5[%mul3A_2, %dma_start3A_17] : memref<4096x1024xf32, #tpu.memory_space<hbm>> -> memref<64x1024xf32, #tpu.memory_space<hbm>>
      tpu.enqueue_dma source(%arg8 : memref<64x1024xf32, #tpu.memory_space<vmem>>) target(%dma_start3A_18 : memref<64x1024xf32, #tpu.memory_space<hbm>>) target_semaphore(%run_scoped3A : memref<!tpu.dma_semaphore, #tpu.memory_space<semaphore_mem>>)
      %dma_wait3A_19 = arith.constant 0 : i32
      %dma_wait3A_20 = tpu.memref_slice %arg5[%mul3A_2, %dma_wait3A_19] : memref<4096x1024xf32, #tpu.memory_space<hbm>> -> memref<64x1024xf32, #tpu.memory_space<hbm>>
      %dma_wait3A_21 = arith.constant 0 : i32
      %dma_wait3A_22 = tpu.memref_slice %arg5[%mul3A_2, %dma_wait3A_21] : memref<4096x1024xf32, #tpu.memory_space<hbm>> -> memref<64x1024xf32, #tpu.memory_space<hbm>>
      tpu.wait_dma2 semaphore(%run_scoped3A : memref<!tpu.dma_semaphore, #tpu.memory_space<semaphore_mem>>) src(%arg8 : memref<64x1024xf32, #tpu.memory_space<vmem>>) dst(%dma_wait3A_22 : memref<64x1024xf32, #tpu.memory_space<hbm>>)
      tpu.yield
    }) : () -> ()
    %dma_start3A_7 = arith.constant 0 : i32
    %dma_start3A_8 = arith.constant 0 : i32
    %dma_start3A_9 = tpu.memref_slice %arg2[%dma_start3A_7, %dma_start3A_8] : memref<5888x1024xf32, #tpu.memory_space<hbm>> -> memref<5888x1024xf32, #tpu.memory_space<hbm>>
    tpu.enqueue_indirect_dma source(%dma_start3A_9 : memref<5888x1024xf32, #tpu.memory_space<hbm>>) target(%arg8 : memref<64x1024xf32, #tpu.memory_space<vmem>>) offsets(%arg7 : memref<64xi32, #tpu.memory_space<vmem>>) semaphore(%arg9 : memref<!tpu.dma_semaphore, #tpu.memory_space<semaphore_mem>>)
    %dma_wait3A_10 = arith.constant 0 : i32
    %dma_wait3A_11 = arith.constant 0 : i32
    %dma_wait3A_12 = tpu.memref_slice %arg2[%dma_wait3A_10, %dma_wait3A_11] : memref<5888x1024xf32, #tpu.memory_space<hbm>> -> memref<5888x1024xf32, #tpu.memory_space<hbm>>
    tpu.wait_indirect_dma semaphore(%arg9 : memref<!tpu.dma_semaphore, #tpu.memory_space<semaphore_mem>>) src(%dma_wait3A_12 : memref<5888x1024xf32, #tpu.memory_space<hbm>>) dst(%arg8 : memref<64x1024xf32, #tpu.memory_space<vmem>>)
    %add3A_13 = arith.constant 2048 : i32
    %add3A_14 = arith.addi %add3A_13, %mul3A_2 : i32
    "tpu.region"() ({
      %run_scoped3A = tpu.sem_alloc : memref<!tpu.dma_semaphore, #tpu.memory_space<semaphore_mem>>
      %dma_start3A_15 = arith.constant 0 : i32
      %dma_start3A_16 = tpu.memref_slice %arg5[%add3A_14, %dma_start3A_15] : memref<4096x1024xf32, #tpu.memory_space<hbm>> -> memref<64x1024xf32, #tpu.memory_space<hbm>>
      %dma_start3A_17 = arith.constant 0 : i32
      %dma_start3A_18 = tpu.memref_slice %arg5[%add3A_14, %dma_start3A_17] : memref<4096x1024xf32, #tpu.memory_space<hbm>> -> memref<64x1024xf32, #tpu.memory_space<hbm>>
      tpu.enqueue_dma source(%arg8 : memref<64x1024xf32, #tpu.memory_space<vmem>>) target(%dma_start3A_18 : memref<64x1024xf32, #tpu.memory_space<hbm>>) target_semaphore(%run_scoped3A : memref<!tpu.dma_semaphore, #tpu.memory_space<semaphore_mem>>)
      %dma_wait3A_19 = arith.constant 0 : i32
      %dma_wait3A_20 = tpu.memref_slice %arg5[%add3A_14, %dma_wait3A_19] : memref<4096x1024xf32, #tpu.memory_space<hbm>> -> memref<64x1024xf32, #tpu.memory_space<hbm>>
      %dma_wait3A_21 = arith.constant 0 : i32
      %dma_wait3A_22 = tpu.memref_slice %arg5[%add3A_14, %dma_wait3A_21] : memref<4096x1024xf32, #tpu.memory_space<hbm>> -> memref<64x1024xf32, #tpu.memory_space<hbm>>
      tpu.wait_dma2 semaphore(%run_scoped3A : memref<!tpu.dma_semaphore, #tpu.memory_space<semaphore_mem>>) src(%arg8 : memref<64x1024xf32, #tpu.memory_space<vmem>>) dst(%dma_wait3A_22 : memref<64x1024xf32, #tpu.memory_space<hbm>>)
      tpu.yield
    }) : () -> ()
    return
  }
}

#map = affine_map<(d0, d1) -> (0, 0)>
#map1 = affine_map<(d0, d1) -> (0)>
module attributes {stable_mosaic.version = 14 : i64} {
  func.func @_dispatch_body(%arg0: i32, %arg1: i32, %arg2: memref<2048x512xi32, #tpu.memory_space<hbm>>, %arg3: memref<2048xi32, #tpu.memory_space<hbm>>, %arg4: memref<2048xi32, #tpu.memory_space<hbm>>, %arg5: memref<5888x512xi32, #tpu.memory_space<hbm>>, %arg6: memref<64x512xi32, #tpu.memory_space<vmem>>, %arg7: memref<64xi32, #tpu.memory_space<vmem>>, %arg8: memref<64xi32, #tpu.memory_space<vmem>>, %arg9: memref<!tpu.dma_semaphore, #tpu.memory_space<semaphore_mem>>) attributes {dimension_semantics = [#tpu.dimension_semantics<core_parallel>, #tpu.dimension_semantics<subcore_parallel>], iteration_bounds = array<i64: 2, 16>, scalar_prefetch = 0 : i64, scratch_operands = 4 : i64, tpu.core_type = #tpu.core_type<sc_vector_subcore>, window_params = [{transform_indices = #map}, {transform_indices = #map1}, {transform_indices = #map1}, {transform_indices = #map}]} {
    %mul3A = arith.constant 2 : i32
    %mul3A_0 = arith.muli %arg1, %mul3A : i32
    %add3A = arith.addi %mul3A_0, %arg0 : i32
    %mul3A_1 = arith.constant 64 : i32
    %mul3A_2 = arith.muli %add3A, %mul3A_1 : i32
    "tpu.region"() ({
      %run_scoped3A = tpu.sem_alloc : memref<!tpu.dma_semaphore, #tpu.memory_space<semaphore_mem>>
      %dma_start3A_13 = arith.constant 0 : i32
      %dma_start3A_14 = tpu.memref_slice %arg2[%mul3A_2, %dma_start3A_13] : memref<2048x512xi32, #tpu.memory_space<hbm>> -> memref<64x512xi32, #tpu.memory_space<hbm>>
      %dma_start3A_15 = arith.constant 0 : i32
      %dma_start3A_16 = tpu.memref_slice %arg2[%mul3A_2, %dma_start3A_15] : memref<2048x512xi32, #tpu.memory_space<hbm>> -> memref<64x512xi32, #tpu.memory_space<hbm>>
      tpu.enqueue_dma source(%dma_start3A_16 : memref<64x512xi32, #tpu.memory_space<hbm>>) target(%arg6 : memref<64x512xi32, #tpu.memory_space<vmem>>) target_semaphore(%run_scoped3A : memref<!tpu.dma_semaphore, #tpu.memory_space<semaphore_mem>>)
      %dma_wait3A_17 = arith.constant 0 : i32
      %dma_wait3A_18 = tpu.memref_slice %arg2[%mul3A_2, %dma_wait3A_17] : memref<2048x512xi32, #tpu.memory_space<hbm>> -> memref<64x512xi32, #tpu.memory_space<hbm>>
      %dma_wait3A_19 = arith.constant 0 : i32
      %dma_wait3A_20 = tpu.memref_slice %arg2[%mul3A_2, %dma_wait3A_19] : memref<2048x512xi32, #tpu.memory_space<hbm>> -> memref<64x512xi32, #tpu.memory_space<hbm>>
      tpu.wait_dma2 semaphore(%run_scoped3A : memref<!tpu.dma_semaphore, #tpu.memory_space<semaphore_mem>>) src(%dma_wait3A_20 : memref<64x512xi32, #tpu.memory_space<hbm>>) dst(%arg6 : memref<64x512xi32, #tpu.memory_space<vmem>>)
      tpu.yield
    }) : () -> ()
    "tpu.region"() ({
      %run_scoped3A = tpu.sem_alloc : memref<!tpu.dma_semaphore, #tpu.memory_space<semaphore_mem>>
      %dma_start3A_13 = tpu.memref_slice %arg3[%mul3A_2] : memref<2048xi32, #tpu.memory_space<hbm>> -> memref<64xi32, #tpu.memory_space<hbm>>
      %dma_start3A_14 = tpu.memref_slice %arg3[%mul3A_2] : memref<2048xi32, #tpu.memory_space<hbm>> -> memref<64xi32, #tpu.memory_space<hbm>>
      tpu.enqueue_dma source(%dma_start3A_14 : memref<64xi32, #tpu.memory_space<hbm>>) target(%arg7 : memref<64xi32, #tpu.memory_space<vmem>>) target_semaphore(%run_scoped3A : memref<!tpu.dma_semaphore, #tpu.memory_space<semaphore_mem>>)
      %dma_wait3A_15 = tpu.memref_slice %arg3[%mul3A_2] : memref<2048xi32, #tpu.memory_space<hbm>> -> memref<64xi32, #tpu.memory_space<hbm>>
      %dma_wait3A_16 = tpu.memref_slice %arg3[%mul3A_2] : memref<2048xi32, #tpu.memory_space<hbm>> -> memref<64xi32, #tpu.memory_space<hbm>>
      tpu.wait_dma2 semaphore(%run_scoped3A : memref<!tpu.dma_semaphore, #tpu.memory_space<semaphore_mem>>) src(%dma_wait3A_16 : memref<64xi32, #tpu.memory_space<hbm>>) dst(%arg7 : memref<64xi32, #tpu.memory_space<vmem>>)
      tpu.yield
    }) : () -> ()
    "tpu.region"() ({
      %run_scoped3A = tpu.sem_alloc : memref<!tpu.dma_semaphore, #tpu.memory_space<semaphore_mem>>
      %dma_start3A_13 = tpu.memref_slice %arg4[%mul3A_2] : memref<2048xi32, #tpu.memory_space<hbm>> -> memref<64xi32, #tpu.memory_space<hbm>>
      %dma_start3A_14 = tpu.memref_slice %arg4[%mul3A_2] : memref<2048xi32, #tpu.memory_space<hbm>> -> memref<64xi32, #tpu.memory_space<hbm>>
      tpu.enqueue_dma source(%dma_start3A_14 : memref<64xi32, #tpu.memory_space<hbm>>) target(%arg8 : memref<64xi32, #tpu.memory_space<vmem>>) target_semaphore(%run_scoped3A : memref<!tpu.dma_semaphore, #tpu.memory_space<semaphore_mem>>)
      %dma_wait3A_15 = tpu.memref_slice %arg4[%mul3A_2] : memref<2048xi32, #tpu.memory_space<hbm>> -> memref<64xi32, #tpu.memory_space<hbm>>
      %dma_wait3A_16 = tpu.memref_slice %arg4[%mul3A_2] : memref<2048xi32, #tpu.memory_space<hbm>> -> memref<64xi32, #tpu.memory_space<hbm>>
      tpu.wait_dma2 semaphore(%run_scoped3A : memref<!tpu.dma_semaphore, #tpu.memory_space<semaphore_mem>>) src(%dma_wait3A_16 : memref<64xi32, #tpu.memory_space<hbm>>) dst(%arg8 : memref<64xi32, #tpu.memory_space<vmem>>)
      tpu.yield
    }) : () -> ()
    %dma_start3A = arith.constant 0 : i32
    %dma_start3A_3 = arith.constant 0 : i32
    %dma_start3A_4 = tpu.memref_slice %arg5[%dma_start3A, %dma_start3A_3] : memref<5888x512xi32, #tpu.memory_space<hbm>> -> memref<5888x512xi32, #tpu.memory_space<hbm>>
    tpu.enqueue_indirect_dma source(%arg6 : memref<64x512xi32, #tpu.memory_space<vmem>>) target(%dma_start3A_4 : memref<5888x512xi32, #tpu.memory_space<hbm>>) offsets(%arg7 : memref<64xi32, #tpu.memory_space<vmem>>) semaphore(%arg9 : memref<!tpu.dma_semaphore, #tpu.memory_space<semaphore_mem>>)
    %dma_start3A_5 = arith.constant 0 : i32
    %dma_start3A_6 = arith.constant 0 : i32
    %dma_start3A_7 = tpu.memref_slice %arg5[%dma_start3A_5, %dma_start3A_6] : memref<5888x512xi32, #tpu.memory_space<hbm>> -> memref<5888x512xi32, #tpu.memory_space<hbm>>
    tpu.enqueue_indirect_dma source(%arg6 : memref<64x512xi32, #tpu.memory_space<vmem>>) target(%dma_start3A_7 : memref<5888x512xi32, #tpu.memory_space<hbm>>) offsets(%arg8 : memref<64xi32, #tpu.memory_space<vmem>>) semaphore(%arg9 : memref<!tpu.dma_semaphore, #tpu.memory_space<semaphore_mem>>)
    %dma_wait3A = arith.constant 0 : i32
    %dma_wait3A_8 = arith.constant 0 : i32
    %dma_wait3A_9 = tpu.memref_slice %arg5[%dma_wait3A, %dma_wait3A_8] : memref<5888x512xi32, #tpu.memory_space<hbm>> -> memref<5888x512xi32, #tpu.memory_space<hbm>>
    tpu.wait_indirect_dma semaphore(%arg9 : memref<!tpu.dma_semaphore, #tpu.memory_space<semaphore_mem>>) src(%arg6 : memref<64x512xi32, #tpu.memory_space<vmem>>) dst(%dma_wait3A_9 : memref<5888x512xi32, #tpu.memory_space<hbm>>)
    %dma_wait3A_10 = arith.constant 0 : i32
    %dma_wait3A_11 = arith.constant 0 : i32
    %dma_wait3A_12 = tpu.memref_slice %arg5[%dma_wait3A_10, %dma_wait3A_11] : memref<5888x512xi32, #tpu.memory_space<hbm>> -> memref<5888x512xi32, #tpu.memory_space<hbm>>
    tpu.wait_indirect_dma semaphore(%arg9 : memref<!tpu.dma_semaphore, #tpu.memory_space<semaphore_mem>>) src(%arg6 : memref<64x512xi32, #tpu.memory_space<vmem>>) dst(%dma_wait3A_12 : memref<5888x512xi32, #tpu.memory_space<hbm>>)
    return
  }
}

module attributes {stable_mosaic.version = 14 : i64} {
  func.func @_route_body(%arg0: memref<2048x1024xf32, #tpu.memory_space<vmem>>, %arg1: memref<8x1024xf32, #tpu.memory_space<vmem>>, %arg2: memref<2048x2xf32, #tpu.memory_space<vmem>>, %arg3: memref<2048x1024xbf16, #tpu.memory_space<vmem>>, %arg4: memref<2048x1xi32, #tpu.memory_space<vmem>>, %arg5: memref<2048x1xi32, #tpu.memory_space<vmem>>, %arg6: memref<1x32xi32, #tpu.memory_space<vmem>>) attributes {dimension_semantics = [], scalar_prefetch = 0 : i64, scratch_operands = 0 : i64, tpu.core_type = #tpu.core_type<tc>} {
    %get3A = arith.constant 0 : index
    %get3A_0 = arith.constant 0 : index
    %get3A_1 = vector.load %arg0[%get3A, %get3A_0] : memref<2048x1024xf32, #tpu.memory_space<vmem>>, vector<2048x1024xf32>
    %convert_element_type3A = arith.truncf %get3A_1 : vector<2048x1024xf32> to vector<2048x1024xbf16>
    %swap3A = arith.constant 0 : index
    %swap3A_2 = arith.constant 0 : index
    %swap3A_3 = vector.load %arg3[%swap3A, %swap3A_2] : memref<2048x1024xbf16, #tpu.memory_space<vmem>>, vector<2048x1024xbf16>
    tpu.vector_store %arg3[%swap3A, %swap3A_2], %convert_element_type3A {strides = array<i32>} : memref<2048x1024xbf16, #tpu.memory_space<vmem>>, vector<2048x1024xbf16>,
    %get3A_4 = arith.constant 0 : index
    %get3A_5 = arith.constant 0 : index
    %get3A_6 = vector.load %arg1[%get3A_4, %get3A_5] : memref<8x1024xf32, #tpu.memory_space<vmem>>, vector<8x1024xf32>
    %dot_general3A = arith.constant dense<0.000000e+00> : vector<2048x8xf32>
    %dot_general3A_7 = tpu.matmul %get3A_1, %get3A_6, %dot_general3A {dimension_numbers = #tpu.dot_dimension_numbers<[1], [1], [0], [0], [0, 0, 1, 0], [], []>, transpose_lhs_hint = false} : vector<2048x1024xf32>, vector<8x1024xf32>, vector<2048x8xf32> -> vector<2048x8xf32>
    %reduce_max3A = arith.constant dense<0xFF800000> : vector<2048xf32>
    %reduce_max3A_8 = vector.multi_reduction <maximumf>, %dot_general3A_7, %reduce_max3A [1] : vector<2048x8xf32> to vector<2048xf32>
    %broadcast_in_dim3A = vector.shape_cast %reduce_max3A_8 : vector<2048xf32> to vector<2048x1xf32>
    %sub3A = vector.broadcast %broadcast_in_dim3A : vector<2048x1xf32> to vector<2048x8xf32>
    %sub3A_9 = arith.subf %dot_general3A_7, %sub3A : vector<2048x8xf32>
    %exp3A = math.exp %sub3A_9 : vector<2048x8xf32>
    %reduce_sum3A = arith.constant dense<0.000000e+00> : vector<2048xf32>
    %reduce_sum3A_10 = vector.multi_reduction <add>, %exp3A, %reduce_sum3A [1] : vector<2048x8xf32> to vector<2048xf32>
    %broadcast_in_dim3A_11 = vector.shape_cast %reduce_sum3A_10 : vector<2048xf32> to vector<2048x1xf32>
    %div3A = vector.broadcast %broadcast_in_dim3A_11 : vector<2048x1xf32> to vector<2048x8xf32>
    %div3A_12 = arith.divf %exp3A, %div3A : vector<2048x8xf32>
    %broadcast_in_dim3A_13 = arith.constant 0xFF800000 : f32
    %broadcast_in_dim3A_14 = vector.broadcast %broadcast_in_dim3A_13 : f32 to vector<2048x1xf32>
    %broadcast_in_dim3A_15 = arith.constant 0 : i32
    %broadcast_in_dim3A_16 = vector.broadcast %broadcast_in_dim3A_15 : i32 to vector<2048x1xi32>
    %broadcast_in_dim3A_17 = arith.constant 0 : i32
    %broadcast_in_dim3A_18 = vector.broadcast %broadcast_in_dim3A_17 : i32 to vector<2048x1xi32>
    %slice3A = vector.extract_strided_slice %div3A_12 {offsets = [0, 0], sizes = [2048, 1], strides = [1, 1]} : vector<2048x8xf32> to vector<2048x1xf32>
    %gt3A = arith.cmpf ogt, %slice3A, %broadcast_in_dim3A_14 : vector<2048x1xf32>
    %gt3A_19 = arith.cmpf ogt, %slice3A, %broadcast_in_dim3A_14 : vector<2048x1xf32>
    %jit3A = arith.constant 0 : i32
    %broadcast_in_dim3A_20 = vector.broadcast %jit3A : i32 to vector<2048x1xi32>
    %select_n3A = arith.select %gt3A_19, %broadcast_in_dim3A_20, %broadcast_in_dim3A_18 : vector<2048x1xi1>, vector<2048x1xi32>
    %select_n3A_21 = arith.select %gt3A, %broadcast_in_dim3A_16, %select_n3A : vector<2048x1xi1>, vector<2048x1xi32>
    %select_n3A_22 = arith.select %gt3A_19, %slice3A, %broadcast_in_dim3A_14 : vector<2048x1xi1>, vector<2048x1xf32>
    %select_n3A_23 = arith.select %gt3A, %broadcast_in_dim3A_14, %select_n3A_22 : vector<2048x1xi1>, vector<2048x1xf32>
    %jit3A_24 = arith.constant 0 : i32
    %broadcast_in_dim3A_25 = vector.broadcast %jit3A_24 : i32 to vector<2048x1xi32>
    %select_n3A_26 = arith.select %gt3A, %broadcast_in_dim3A_25, %broadcast_in_dim3A_16 : vector<2048x1xi1>, vector<2048x1xi32>
    %select_n3A_27 = arith.select %gt3A, %slice3A, %broadcast_in_dim3A_14 : vector<2048x1xi1>, vector<2048x1xf32>
    %slice3A_28 = vector.extract_strided_slice %div3A_12 {offsets = [0, 1], sizes = [2048, 1], strides = [1, 1]} : vector<2048x8xf32> to vector<2048x1xf32>
    %gt3A_29 = arith.cmpf ogt, %slice3A_28, %select_n3A_27 : vector<2048x1xf32>
    %gt3A_30 = arith.cmpf ogt, %slice3A_28, %select_n3A_23 : vector<2048x1xf32>
    %jit3A_31 = arith.constant 1 : i32
    %broadcast_in_dim3A_32 = vector.broadcast %jit3A_31 : i32 to vector<2048x1xi32>
    %select_n3A_33 = arith.select %gt3A_30, %broadcast_in_dim3A_32, %select_n3A_21 : vector<2048x1xi1>, vector<2048x1xi32>
    %select_n3A_34 = arith.select %gt3A_29, %select_n3A_26, %select_n3A_33 : vector<2048x1xi1>, vector<2048x1xi32>
    %select_n3A_35 = arith.select %gt3A_30, %slice3A_28, %select_n3A_23 : vector<2048x1xi1>, vector<2048x1xf32>
    %select_n3A_36 = arith.select %gt3A_29, %select_n3A_27, %select_n3A_35 : vector<2048x1xi1>, vector<2048x1xf32>
    %jit3A_37 = arith.constant 1 : i32
    %broadcast_in_dim3A_38 = vector.broadcast %jit3A_37 : i32 to vector<2048x1xi32>
    %select_n3A_39 = arith.select %gt3A_29, %broadcast_in_dim3A_38, %select_n3A_26 : vector<2048x1xi1>, vector<2048x1xi32>
    %select_n3A_40 = arith.select %gt3A_29, %slice3A_28, %select_n3A_27 : vector<2048x1xi1>, vector<2048x1xf32>
    %slice3A_41 = vector.extract_strided_slice %div3A_12 {offsets = [0, 2], sizes = [2048, 1], strides = [1, 1]} : vector<2048x8xf32> to vector<2048x1xf32>
    %gt3A_42 = arith.cmpf ogt, %slice3A_41, %select_n3A_40 : vector<2048x1xf32>
    %gt3A_43 = arith.cmpf ogt, %slice3A_41, %select_n3A_36 : vector<2048x1xf32>
    %jit3A_44 = arith.constant 2 : i32
    %broadcast_in_dim3A_45 = vector.broadcast %jit3A_44 : i32 to vector<2048x1xi32>
    %select_n3A_46 = arith.select %gt3A_43, %broadcast_in_dim3A_45, %select_n3A_34 : vector<2048x1xi1>, vector<2048x1xi32>
    %select_n3A_47 = arith.select %gt3A_42, %select_n3A_39, %select_n3A_46 : vector<2048x1xi1>, vector<2048x1xi32>
    %select_n3A_48 = arith.select %gt3A_43, %slice3A_41, %select_n3A_36 : vector<2048x1xi1>, vector<2048x1xf32>
    %select_n3A_49 = arith.select %gt3A_42, %select_n3A_40, %select_n3A_48 : vector<2048x1xi1>, vector<2048x1xf32>
    %jit3A_50 = arith.constant 2 : i32
    %broadcast_in_dim3A_51 = vector.broadcast %jit3A_50 : i32 to vector<2048x1xi32>
    %select_n3A_52 = arith.select %gt3A_42, %broadcast_in_dim3A_51, %select_n3A_39 : vector<2048x1xi1>, vector<2048x1xi32>
    %select_n3A_53 = arith.select %gt3A_42, %slice3A_41, %select_n3A_40 : vector<2048x1xi1>, vector<2048x1xf32>
    %slice3A_54 = vector.extract_strided_slice %div3A_12 {offsets = [0, 3], sizes = [2048, 1], strides = [1, 1]} : vector<2048x8xf32> to vector<2048x1xf32>
    %gt3A_55 = arith.cmpf ogt, %slice3A_54, %select_n3A_53 : vector<2048x1xf32>
    %gt3A_56 = arith.cmpf ogt, %slice3A_54, %select_n3A_49 : vector<2048x1xf32>
    %jit3A_57 = arith.constant 3 : i32
    %broadcast_in_dim3A_58 = vector.broadcast %jit3A_57 : i32 to vector<2048x1xi32>
    %select_n3A_59 = arith.select %gt3A_56, %broadcast_in_dim3A_58, %select_n3A_47 : vector<2048x1xi1>, vector<2048x1xi32>
    %select_n3A_60 = arith.select %gt3A_55, %select_n3A_52, %select_n3A_59 : vector<2048x1xi1>, vector<2048x1xi32>
    %select_n3A_61 = arith.select %gt3A_56, %slice3A_54, %select_n3A_49 : vector<2048x1xi1>, vector<2048x1xf32>
    %select_n3A_62 = arith.select %gt3A_55, %select_n3A_53, %select_n3A_61 : vector<2048x1xi1>, vector<2048x1xf32>
    %jit3A_63 = arith.constant 3 : i32
    %broadcast_in_dim3A_64 = vector.broadcast %jit3A_63 : i32 to vector<2048x1xi32>
    %select_n3A_65 = arith.select %gt3A_55, %broadcast_in_dim3A_64, %select_n3A_52 : vector<2048x1xi1>, vector<2048x1xi32>
    %select_n3A_66 = arith.select %gt3A_55, %slice3A_54, %select_n3A_53 : vector<2048x1xi1>, vector<2048x1xf32>
    %slice3A_67 = vector.extract_strided_slice %div3A_12 {offsets = [0, 4], sizes = [2048, 1], strides = [1, 1]} : vector<2048x8xf32> to vector<2048x1xf32>
    %gt3A_68 = arith.cmpf ogt, %slice3A_67, %select_n3A_66 : vector<2048x1xf32>
    %gt3A_69 = arith.cmpf ogt, %slice3A_67, %select_n3A_62 : vector<2048x1xf32>
    %jit3A_70 = arith.constant 4 : i32
    %broadcast_in_dim3A_71 = vector.broadcast %jit3A_70 : i32 to vector<2048x1xi32>
    %select_n3A_72 = arith.select %gt3A_69, %broadcast_in_dim3A_71, %select_n3A_60 : vector<2048x1xi1>, vector<2048x1xi32>
    %select_n3A_73 = arith.select %gt3A_68, %select_n3A_65, %select_n3A_72 : vector<2048x1xi1>, vector<2048x1xi32>
    %select_n3A_74 = arith.select %gt3A_69, %slice3A_67, %select_n3A_62 : vector<2048x1xi1>, vector<2048x1xf32>
    %select_n3A_75 = arith.select %gt3A_68, %select_n3A_66, %select_n3A_74 : vector<2048x1xi1>, vector<2048x1xf32>
    %jit3A_76 = arith.constant 4 : i32
    %broadcast_in_dim3A_77 = vector.broadcast %jit3A_76 : i32 to vector<2048x1xi32>
    %select_n3A_78 = arith.select %gt3A_68, %broadcast_in_dim3A_77, %select_n3A_65 : vector<2048x1xi1>, vector<2048x1xi32>
    %select_n3A_79 = arith.select %gt3A_68, %slice3A_67, %select_n3A_66 : vector<2048x1xi1>, vector<2048x1xf32>
    %slice3A_80 = vector.extract_strided_slice %div3A_12 {offsets = [0, 5], sizes = [2048, 1], strides = [1, 1]} : vector<2048x8xf32> to vector<2048x1xf32>
    %gt3A_81 = arith.cmpf ogt, %slice3A_80, %select_n3A_79 : vector<2048x1xf32>
    %gt3A_82 = arith.cmpf ogt, %slice3A_80, %select_n3A_75 : vector<2048x1xf32>
    %jit3A_83 = arith.constant 5 : i32
    %broadcast_in_dim3A_84 = vector.broadcast %jit3A_83 : i32 to vector<2048x1xi32>
    %select_n3A_85 = arith.select %gt3A_82, %broadcast_in_dim3A_84, %select_n3A_73 : vector<2048x1xi1>, vector<2048x1xi32>
    %select_n3A_86 = arith.select %gt3A_81, %select_n3A_78, %select_n3A_85 : vector<2048x1xi1>, vector<2048x1xi32>
    %select_n3A_87 = arith.select %gt3A_82, %slice3A_80, %select_n3A_75 : vector<2048x1xi1>, vector<2048x1xf32>
    %select_n3A_88 = arith.select %gt3A_81, %select_n3A_79, %select_n3A_87 : vector<2048x1xi1>, vector<2048x1xf32>
    %jit3A_89 = arith.constant 5 : i32
    %broadcast_in_dim3A_90 = vector.broadcast %jit3A_89 : i32 to vector<2048x1xi32>
    %select_n3A_91 = arith.select %gt3A_81, %broadcast_in_dim3A_90, %select_n3A_78 : vector<2048x1xi1>, vector<2048x1xi32>
    %select_n3A_92 = arith.select %gt3A_81, %slice3A_80, %select_n3A_79 : vector<2048x1xi1>, vector<2048x1xf32>
    %slice3A_93 = vector.extract_strided_slice %div3A_12 {offsets = [0, 6], sizes = [2048, 1], strides = [1, 1]} : vector<2048x8xf32> to vector<2048x1xf32>
    %gt3A_94 = arith.cmpf ogt, %slice3A_93, %select_n3A_92 : vector<2048x1xf32>
    %gt3A_95 = arith.cmpf ogt, %slice3A_93, %select_n3A_88 : vector<2048x1xf32>
    %jit3A_96 = arith.constant 6 : i32
    %broadcast_in_dim3A_97 = vector.broadcast %jit3A_96 : i32 to vector<2048x1xi32>
    %select_n3A_98 = arith.select %gt3A_95, %broadcast_in_dim3A_97, %select_n3A_86 : vector<2048x1xi1>, vector<2048x1xi32>
    %select_n3A_99 = arith.select %gt3A_94, %select_n3A_91, %select_n3A_98 : vector<2048x1xi1>, vector<2048x1xi32>
    %select_n3A_100 = arith.select %gt3A_95, %slice3A_93, %select_n3A_88 : vector<2048x1xi1>, vector<2048x1xf32>
    %select_n3A_101 = arith.select %gt3A_94, %select_n3A_92, %select_n3A_100 : vector<2048x1xi1>, vector<2048x1xf32>
    %jit3A_102 = arith.constant 6 : i32
    %broadcast_in_dim3A_103 = vector.broadcast %jit3A_102 : i32 to vector<2048x1xi32>
    %select_n3A_104 = arith.select %gt3A_94, %broadcast_in_dim3A_103, %select_n3A_91 : vector<2048x1xi1>, vector<2048x1xi32>
    %select_n3A_105 = arith.select %gt3A_94, %slice3A_93, %select_n3A_92 : vector<2048x1xi1>, vector<2048x1xf32>
    %slice3A_106 = vector.extract_strided_slice %div3A_12 {offsets = [0, 7], sizes = [2048, 1], strides = [1, 1]} : vector<2048x8xf32> to vector<2048x1xf32>
    %gt3A_107 = arith.cmpf ogt, %slice3A_106, %select_n3A_105 : vector<2048x1xf32>
    %gt3A_108 = arith.cmpf ogt, %slice3A_106, %select_n3A_101 : vector<2048x1xf32>
    %jit3A_109 = arith.constant 7 : i32
    %broadcast_in_dim3A_110 = vector.broadcast %jit3A_109 : i32 to vector<2048x1xi32>
    %select_n3A_111 = arith.select %gt3A_108, %broadcast_in_dim3A_110, %select_n3A_99 : vector<2048x1xi1>, vector<2048x1xi32>
    %select_n3A_112 = arith.select %gt3A_107, %select_n3A_104, %select_n3A_111 : vector<2048x1xi1>, vector<2048x1xi32>
    %select_n3A_113 = arith.select %gt3A_108, %slice3A_106, %select_n3A_101 : vector<2048x1xi1>, vector<2048x1xf32>
    %select_n3A_114 = arith.select %gt3A_107, %select_n3A_105, %select_n3A_113 : vector<2048x1xi1>, vector<2048x1xf32>
    %jit3A_115 = arith.constant 7 : i32
    %broadcast_in_dim3A_116 = vector.broadcast %jit3A_115 : i32 to vector<2048x1xi32>
    %select_n3A_117 = arith.select %gt3A_107, %broadcast_in_dim3A_116, %select_n3A_104 : vector<2048x1xi1>, vector<2048x1xi32>
    %select_n3A_118 = arith.select %gt3A_107, %slice3A_106, %select_n3A_105 : vector<2048x1xi1>, vector<2048x1xf32>
    %concatenate3A = tpu.concatenate %select_n3A_118, %select_n3A_114 in 1 : vector<2048x1xf32>, vector<2048x1xf32> -> vector<2048x2xf32>
    %swap3A_119 = arith.constant 0 : index
    %swap3A_120 = arith.constant 0 : index
    %swap3A_121 = vector.load %arg2[%swap3A_119, %swap3A_120] : memref<2048x2xf32, #tpu.memory_space<vmem>>, vector<2048x2xf32>
    tpu.vector_store %arg2[%swap3A_119, %swap3A_120], %concatenate3A {strides = array<i32>} : memref<2048x2xf32, #tpu.memory_space<vmem>>, vector<2048x2xf32>,
    %iota3A = tpu.iota {dimensions = array<i32: 1>} : vector<2048x8xi32>
    %eq3A = vector.broadcast %select_n3A_117 : vector<2048x1xi32> to vector<2048x8xi32>
    %eq3A_122 = arith.cmpi eq, %iota3A, %eq3A : vector<2048x8xi32>
    %eq3A_123 = vector.broadcast %select_n3A_112 : vector<2048x1xi32> to vector<2048x8xi32>
    %eq3A_124 = arith.cmpi eq, %iota3A, %eq3A_123 : vector<2048x8xi32>
    %or3A = arith.ori %eq3A_122, %eq3A_124 : vector<2048x8xi1>
    %convert_element_type3A_125 = arith.extui %or3A : vector<2048x8xi1> to vector<2048x8xi32>
    %convert_element_type3A_126 = arith.sitofp %convert_element_type3A_125 : vector<2048x8xi32> to vector<2048x8xf32>
    %iota3A_127 = tpu.iota {dimensions = array<i32: 0>} : vector<256x256xi32>
    %iota3A_128 = tpu.iota {dimensions = array<i32: 1>} : vector<256x256xi32>
    %gt3A_129 = arith.cmpi sgt, %iota3A_127, %iota3A_128 : vector<256x256xi32>
    %convert_element_type3A_130 = arith.extui %gt3A_129 : vector<256x256xi1> to vector<256x256xi32>
    %convert_element_type3A_131 = arith.sitofp %convert_element_type3A_130 : vector<256x256xi32> to vector<256x256xf32>
    %broadcast_in_dim3A_132 = arith.constant 0.000000e+00 : f32
    %broadcast_in_dim3A_133 = vector.broadcast %broadcast_in_dim3A_132 : f32 to vector<1x8xf32>
    %slice3A_134 = vector.extract_strided_slice %convert_element_type3A_126 {offsets = [0, 0], sizes = [256, 8], strides = [1, 1]} : vector<2048x8xf32> to vector<256x8xf32>
    %dot_general3A_135 = arith.constant dense<0.000000e+00> : vector<256x8xf32>
    %dot_general3A_136 = tpu.matmul %convert_element_type3A_131, %slice3A_134, %dot_general3A_135 {dimension_numbers = #tpu.dot_dimension_numbers<[1], [0], [0], [1], [0, 0, 1, 1], [], []>, transpose_lhs_hint = false} : vector<256x256xf32>, vector<256x8xf32>, vector<256x8xf32> -> vector<256x8xf32>
    %add3A = vector.broadcast %broadcast_in_dim3A_133 : vector<1x8xf32> to vector<256x8xf32>
    %add3A_137 = arith.addf %dot_general3A_136, %add3A : vector<256x8xf32>
    %reduce_sum3A_138 = arith.constant dense<0.000000e+00> : vector<8xf32>
    %reduce_sum3A_139 = vector.multi_reduction <add>, %slice3A_134, %reduce_sum3A_138 [0] : vector<256x8xf32> to vector<8xf32>
    %broadcast_in_dim3A_140 = vector.shape_cast %reduce_sum3A_139 : vector<8xf32> to vector<1x8xf32>
    %add3A_141 = arith.addf %broadcast_in_dim3A_133, %broadcast_in_dim3A_140 : vector<1x8xf32>
    %slice3A_142 = vector.extract_strided_slice %convert_element_type3A_126 {offsets = [256, 0], sizes = [256, 8], strides = [1, 1]} : vector<2048x8xf32> to vector<256x8xf32>
    %dot_general3A_143 = arith.constant dense<0.000000e+00> : vector<256x8xf32>
    %dot_general3A_144 = tpu.matmul %convert_element_type3A_131, %slice3A_142, %dot_general3A_143 {dimension_numbers = #tpu.dot_dimension_numbers<[1], [0], [0], [1], [0, 0, 1, 1], [], []>, transpose_lhs_hint = false} : vector<256x256xf32>, vector<256x8xf32>, vector<256x8xf32> -> vector<256x8xf32>
    %add3A_145 = vector.broadcast %add3A_141 : vector<1x8xf32> to vector<256x8xf32>
    %add3A_146 = arith.addf %dot_general3A_144, %add3A_145 : vector<256x8xf32>
    %reduce_sum3A_147 = arith.constant dense<0.000000e+00> : vector<8xf32>
    %reduce_sum3A_148 = vector.multi_reduction <add>, %slice3A_142, %reduce_sum3A_147 [0] : vector<256x8xf32> to vector<8xf32>
    %broadcast_in_dim3A_149 = vector.shape_cast %reduce_sum3A_148 : vector<8xf32> to vector<1x8xf32>
    %add3A_150 = arith.addf %add3A_141, %broadcast_in_dim3A_149 : vector<1x8xf32>
    %slice3A_151 = vector.extract_strided_slice %convert_element_type3A_126 {offsets = [512, 0], sizes = [256, 8], strides = [1, 1]} : vector<2048x8xf32> to vector<256x8xf32>
    %dot_general3A_152 = arith.constant dense<0.000000e+00> : vector<256x8xf32>
    %dot_general3A_153 = tpu.matmul %convert_element_type3A_131, %slice3A_151, %dot_general3A_152 {dimension_numbers = #tpu.dot_dimension_numbers<[1], [0], [0], [1], [0, 0, 1, 1], [], []>, transpose_lhs_hint = false} : vector<256x256xf32>, vector<256x8xf32>, vector<256x8xf32> -> vector<256x8xf32>
    %add3A_154 = vector.broadcast %add3A_150 : vector<1x8xf32> to vector<256x8xf32>
    %add3A_155 = arith.addf %dot_general3A_153, %add3A_154 : vector<256x8xf32>
    %reduce_sum3A_156 = arith.constant dense<0.000000e+00> : vector<8xf32>
    %reduce_sum3A_157 = vector.multi_reduction <add>, %slice3A_151, %reduce_sum3A_156 [0] : vector<256x8xf32> to vector<8xf32>
    %broadcast_in_dim3A_158 = vector.shape_cast %reduce_sum3A_157 : vector<8xf32> to vector<1x8xf32>
    %add3A_159 = arith.addf %add3A_150, %broadcast_in_dim3A_158 : vector<1x8xf32>
    %slice3A_160 = vector.extract_strided_slice %convert_element_type3A_126 {offsets = [768, 0], sizes = [256, 8], strides = [1, 1]} : vector<2048x8xf32> to vector<256x8xf32>
    %dot_general3A_161 = arith.constant dense<0.000000e+00> : vector<256x8xf32>
    %dot_general3A_162 = tpu.matmul %convert_element_type3A_131, %slice3A_160, %dot_general3A_161 {dimension_numbers = #tpu.dot_dimension_numbers<[1], [0], [0], [1], [0, 0, 1, 1], [], []>, transpose_lhs_hint = false} : vector<256x256xf32>, vector<256x8xf32>, vector<256x8xf32> -> vector<256x8xf32>
    %add3A_163 = vector.broadcast %add3A_159 : vector<1x8xf32> to vector<256x8xf32>
    %add3A_164 = arith.addf %dot_general3A_162, %add3A_163 : vector<256x8xf32>
    %reduce_sum3A_165 = arith.constant dense<0.000000e+00> : vector<8xf32>
    %reduce_sum3A_166 = vector.multi_reduction <add>, %slice3A_160, %reduce_sum3A_165 [0] : vector<256x8xf32> to vector<8xf32>
    %broadcast_in_dim3A_167 = vector.shape_cast %reduce_sum3A_166 : vector<8xf32> to vector<1x8xf32>
    %add3A_168 = arith.addf %add3A_159, %broadcast_in_dim3A_167 : vector<1x8xf32>
    %slice3A_169 = vector.extract_strided_slice %convert_element_type3A_126 {offsets = [1024, 0], sizes = [256, 8], strides = [1, 1]} : vector<2048x8xf32> to vector<256x8xf32>
    %dot_general3A_170 = arith.constant dense<0.000000e+00> : vector<256x8xf32>
    %dot_general3A_171 = tpu.matmul %convert_element_type3A_131, %slice3A_169, %dot_general3A_170 {dimension_numbers = #tpu.dot_dimension_numbers<[1], [0], [0], [1], [0, 0, 1, 1], [], []>, transpose_lhs_hint = false} : vector<256x256xf32>, vector<256x8xf32>, vector<256x8xf32> -> vector<256x8xf32>
    %add3A_172 = vector.broadcast %add3A_168 : vector<1x8xf32> to vector<256x8xf32>
    %add3A_173 = arith.addf %dot_general3A_171, %add3A_172 : vector<256x8xf32>
    %reduce_sum3A_174 = arith.constant dense<0.000000e+00> : vector<8xf32>
    %reduce_sum3A_175 = vector.multi_reduction <add>, %slice3A_169, %reduce_sum3A_174 [0] : vector<256x8xf32> to vector<8xf32>
    %broadcast_in_dim3A_176 = vector.shape_cast %reduce_sum3A_175 : vector<8xf32> to vector<1x8xf32>
    %add3A_177 = arith.addf %add3A_168, %broadcast_in_dim3A_176 : vector<1x8xf32>
    %slice3A_178 = vector.extract_strided_slice %convert_element_type3A_126 {offsets = [1280, 0], sizes = [256, 8], strides = [1, 1]} : vector<2048x8xf32> to vector<256x8xf32>
    %dot_general3A_179 = arith.constant dense<0.000000e+00> : vector<256x8xf32>
    %dot_general3A_180 = tpu.matmul %convert_element_type3A_131, %slice3A_178, %dot_general3A_179 {dimension_numbers = #tpu.dot_dimension_numbers<[1], [0], [0], [1], [0, 0, 1, 1], [], []>, transpose_lhs_hint = false} : vector<256x256xf32>, vector<256x8xf32>, vector<256x8xf32> -> vector<256x8xf32>
    %add3A_181 = vector.broadcast %add3A_177 : vector<1x8xf32> to vector<256x8xf32>
    %add3A_182 = arith.addf %dot_general3A_180, %add3A_181 : vector<256x8xf32>
    %reduce_sum3A_183 = arith.constant dense<0.000000e+00> : vector<8xf32>
    %reduce_sum3A_184 = vector.multi_reduction <add>, %slice3A_178, %reduce_sum3A_183 [0] : vector<256x8xf32> to vector<8xf32>
    %broadcast_in_dim3A_185 = vector.shape_cast %reduce_sum3A_184 : vector<8xf32> to vector<1x8xf32>
    %add3A_186 = arith.addf %add3A_177, %broadcast_in_dim3A_185 : vector<1x8xf32>
    %slice3A_187 = vector.extract_strided_slice %convert_element_type3A_126 {offsets = [1536, 0], sizes = [256, 8], strides = [1, 1]} : vector<2048x8xf32> to vector<256x8xf32>
    %dot_general3A_188 = arith.constant dense<0.000000e+00> : vector<256x8xf32>
    %dot_general3A_189 = tpu.matmul %convert_element_type3A_131, %slice3A_187, %dot_general3A_188 {dimension_numbers = #tpu.dot_dimension_numbers<[1], [0], [0], [1], [0, 0, 1, 1], [], []>, transpose_lhs_hint = false} : vector<256x256xf32>, vector<256x8xf32>, vector<256x8xf32> -> vector<256x8xf32>
    %add3A_190 = vector.broadcast %add3A_186 : vector<1x8xf32> to vector<256x8xf32>
    %add3A_191 = arith.addf %dot_general3A_189, %add3A_190 : vector<256x8xf32>
    %reduce_sum3A_192 = arith.constant dense<0.000000e+00> : vector<8xf32>
    %reduce_sum3A_193 = vector.multi_reduction <add>, %slice3A_187, %reduce_sum3A_192 [0] : vector<256x8xf32> to vector<8xf32>
    %broadcast_in_dim3A_194 = vector.shape_cast %reduce_sum3A_193 : vector<8xf32> to vector<1x8xf32>
    %add3A_195 = arith.addf %add3A_186, %broadcast_in_dim3A_194 : vector<1x8xf32>
    %slice3A_196 = vector.extract_strided_slice %convert_element_type3A_126 {offsets = [1792, 0], sizes = [256, 8], strides = [1, 1]} : vector<2048x8xf32> to vector<256x8xf32>
    %dot_general3A_197 = arith.constant dense<0.000000e+00> : vector<256x8xf32>
    %dot_general3A_198 = tpu.matmul %convert_element_type3A_131, %slice3A_196, %dot_general3A_197 {dimension_numbers = #tpu.dot_dimension_numbers<[1], [0], [0], [1], [0, 0, 1, 1], [], []>, transpose_lhs_hint = false} : vector<256x256xf32>, vector<256x8xf32>, vector<256x8xf32> -> vector<256x8xf32>
    %add3A_199 = vector.broadcast %add3A_195 : vector<1x8xf32> to vector<256x8xf32>
    %add3A_200 = arith.addf %dot_general3A_198, %add3A_199 : vector<256x8xf32>
    %reduce_sum3A_201 = arith.constant dense<0.000000e+00> : vector<8xf32>
    %reduce_sum3A_202 = vector.multi_reduction <add>, %slice3A_196, %reduce_sum3A_201 [0] : vector<256x8xf32> to vector<8xf32>
    %broadcast_in_dim3A_203 = vector.shape_cast %reduce_sum3A_202 : vector<8xf32> to vector<1x8xf32>
    %add3A_204 = arith.addf %add3A_195, %broadcast_in_dim3A_203 : vector<1x8xf32>
    %concatenate3A_205 = tpu.concatenate %add3A_137, %add3A_146, %add3A_155, %add3A_164, %add3A_173, %add3A_182, %add3A_191, %add3A_200 in 0 : vector<256x8xf32>, vector<256x8xf32>, vector<256x8xf32>, vector<256x8xf32>, vector<256x8xf32>, vector<256x8xf32>, vector<256x8xf32>, vector<256x8xf32> -> vector<2048x8xf32>
    %div3A_206 = arith.constant 2.560000e+02 : f32
    %div3A_207 = vector.broadcast %div3A_206 : f32 to vector<1x8xf32>
    %div3A_208 = arith.divf %add3A_204, %div3A_207 : vector<1x8xf32>
    %ceil3A = math.ceil %div3A_208 : vector<1x8xf32>
    %broadcast_in_dim3A_209 = arith.constant 0.000000e+00 : f32
    %broadcast_in_dim3A_210 = vector.broadcast %broadcast_in_dim3A_209 : f32 to vector<1x1xf32>
    %slice3A_211 = vector.extract_strided_slice %ceil3A {offsets = [0, 0], sizes = [1, 7], strides = [1, 1]} : vector<1x8xf32> to vector<1x7xf32>
    %concatenate3A_212 = tpu.concatenate %broadcast_in_dim3A_210, %slice3A_211 in 1 : vector<1x1xf32>, vector<1x7xf32> -> vector<1x8xf32>
    %add3A_213 = arith.addf %ceil3A, %concatenate3A_212 : vector<1x8xf32>
    %broadcast_in_dim3A_214 = arith.constant 0.000000e+00 : f32
    %broadcast_in_dim3A_215 = vector.broadcast %broadcast_in_dim3A_214 : f32 to vector<1x2xf32>
    %slice3A_216 = vector.extract_strided_slice %add3A_213 {offsets = [0, 0], sizes = [1, 6], strides = [1, 1]} : vector<1x8xf32> to vector<1x6xf32>
    %concatenate3A_217 = tpu.concatenate %broadcast_in_dim3A_215, %slice3A_216 in 1 : vector<1x2xf32>, vector<1x6xf32> -> vector<1x8xf32>
    %add3A_218 = arith.addf %add3A_213, %concatenate3A_217 : vector<1x8xf32>
    %broadcast_in_dim3A_219 = arith.constant 0.000000e+00 : f32
    %broadcast_in_dim3A_220 = vector.broadcast %broadcast_in_dim3A_219 : f32 to vector<1x4xf32>
    %slice3A_221 = vector.extract_strided_slice %add3A_218 {offsets = [0, 0], sizes = [1, 4], strides = [1, 1]} : vector<1x8xf32> to vector<1x4xf32>
    %concatenate3A_222 = tpu.concatenate %broadcast_in_dim3A_220, %slice3A_221 in 1 : vector<1x4xf32>, vector<1x4xf32> -> vector<1x8xf32>
    %add3A_223 = arith.addf %add3A_218, %concatenate3A_222 : vector<1x8xf32>
    %sub3A_224 = arith.subf %add3A_223, %ceil3A : vector<1x8xf32>
    %mul3A = arith.constant 2.560000e+02 : f32
    %mul3A_225 = vector.broadcast %mul3A : f32 to vector<1x8xf32>
    %mul3A_226 = arith.mulf %sub3A_224, %mul3A_225 : vector<1x8xf32>
    %add3A_227 = vector.broadcast %mul3A_226 : vector<1x8xf32> to vector<2048x8xf32>
    %add3A_228 = arith.addf %add3A_227, %concatenate3A_205 : vector<2048x8xf32>
    %jit3A_229 = arith.constant 0.000000e+00 : f32
    %broadcast_in_dim3A_230 = vector.broadcast %jit3A_229 : f32 to vector<2048x8xf32>
    %select_n3A_231 = arith.select %eq3A_122, %add3A_228, %broadcast_in_dim3A_230 : vector<2048x8xi1>, vector<2048x8xf32>
    %reduce_sum3A_232 = arith.constant dense<0.000000e+00> : vector<2048xf32>
    %reduce_sum3A_233 = vector.multi_reduction <add>, %select_n3A_231, %reduce_sum3A_232 [1] : vector<2048x8xf32> to vector<2048xf32>
    %broadcast_in_dim3A_234 = vector.shape_cast %reduce_sum3A_233 : vector<2048xf32> to vector<2048x1xf32>
    %jit3A_235 = arith.constant 0.000000e+00 : f32
    %broadcast_in_dim3A_236 = vector.broadcast %jit3A_235 : f32 to vector<2048x8xf32>
    %select_n3A_237 = arith.select %eq3A_124, %add3A_228, %broadcast_in_dim3A_236 : vector<2048x8xi1>, vector<2048x8xf32>
    %reduce_sum3A_238 = arith.constant dense<0.000000e+00> : vector<2048xf32>
    %reduce_sum3A_239 = vector.multi_reduction <add>, %select_n3A_237, %reduce_sum3A_238 [1] : vector<2048x8xf32> to vector<2048xf32>
    %broadcast_in_dim3A_240 = vector.shape_cast %reduce_sum3A_239 : vector<2048xf32> to vector<2048x1xf32>
    %convert_element_type3A_241 = arith.fptosi %broadcast_in_dim3A_234 : vector<2048x1xf32> to vector<2048x1xi32>
    %swap3A_242 = arith.constant 0 : index
    %swap3A_243 = arith.constant 0 : index
    %swap3A_244 = vector.load %arg4[%swap3A_242, %swap3A_243] : memref<2048x1xi32, #tpu.memory_space<vmem>>, vector<2048x1xi32>
    tpu.vector_store %arg4[%swap3A_242, %swap3A_243], %convert_element_type3A_241 {strides = array<i32>} : memref<2048x1xi32, #tpu.memory_space<vmem>>, vector<2048x1xi32>,
    %convert_element_type3A_245 = arith.fptosi %broadcast_in_dim3A_240 : vector<2048x1xf32> to vector<2048x1xi32>
    %swap3A_246 = arith.constant 0 : index
    %swap3A_247 = arith.constant 0 : index
    %swap3A_248 = vector.load %arg5[%swap3A_246, %swap3A_247] : memref<2048x1xi32, #tpu.memory_space<vmem>>, vector<2048x1xi32>
    tpu.vector_store %arg5[%swap3A_246, %swap3A_247], %convert_element_type3A_245 {strides = array<i32>} : memref<2048x1xi32, #tpu.memory_space<vmem>>, vector<2048x1xi32>,
    %iota3A_249 = tpu.iota {dimensions = array<i32: 1>} : vector<1x32xi32>
    %convert_element_type3A_250 = arith.sitofp %iota3A_249 : vector<1x32xi32> to vector<1x32xf32>
    %broadcast_in_dim3A_251 = arith.constant 0 : i32
    %broadcast_in_dim3A_252 = vector.broadcast %broadcast_in_dim3A_251 : i32 to vector<1x32xi32>
    %slice3A_253 = vector.extract_strided_slice %sub3A_224 {offsets = [0, 0], sizes = [1, 1], strides = [1, 1]} : vector<1x8xf32> to vector<1x1xf32>
    %ge3A = vector.broadcast %slice3A_253 : vector<1x1xf32> to vector<1x32xf32>
    %ge3A_254 = arith.cmpf oge, %convert_element_type3A_250, %ge3A : vector<1x32xf32>
    %convert_element_type3A_255 = arith.extui %ge3A_254 : vector<1x32xi1> to vector<1x32xi32>
    %add3A_256 = arith.addi %broadcast_in_dim3A_252, %convert_element_type3A_255 : vector<1x32xi32>
    %slice3A_257 = vector.extract_strided_slice %sub3A_224 {offsets = [0, 1], sizes = [1, 1], strides = [1, 1]} : vector<1x8xf32> to vector<1x1xf32>
    %ge3A_258 = vector.broadcast %slice3A_257 : vector<1x1xf32> to vector<1x32xf32>
    %ge3A_259 = arith.cmpf oge, %convert_element_type3A_250, %ge3A_258 : vector<1x32xf32>
    %convert_element_type3A_260 = arith.extui %ge3A_259 : vector<1x32xi1> to vector<1x32xi32>
    %add3A_261 = arith.addi %add3A_256, %convert_element_type3A_260 : vector<1x32xi32>
    %slice3A_262 = vector.extract_strided_slice %sub3A_224 {offsets = [0, 2], sizes = [1, 1], strides = [1, 1]} : vector<1x8xf32> to vector<1x1xf32>
    %ge3A_263 = vector.broadcast %slice3A_262 : vector<1x1xf32> to vector<1x32xf32>
    %ge3A_264 = arith.cmpf oge, %convert_element_type3A_250, %ge3A_263 : vector<1x32xf32>
    %convert_element_type3A_265 = arith.extui %ge3A_264 : vector<1x32xi1> to vector<1x32xi32>
    %add3A_266 = arith.addi %add3A_261, %convert_element_type3A_265 : vector<1x32xi32>
    %slice3A_267 = vector.extract_strided_slice %sub3A_224 {offsets = [0, 3], sizes = [1, 1], strides = [1, 1]} : vector<1x8xf32> to vector<1x1xf32>
    %ge3A_268 = vector.broadcast %slice3A_267 : vector<1x1xf32> to vector<1x32xf32>
    %ge3A_269 = arith.cmpf oge, %convert_element_type3A_250, %ge3A_268 : vector<1x32xf32>
    %convert_element_type3A_270 = arith.extui %ge3A_269 : vector<1x32xi1> to vector<1x32xi32>
    %add3A_271 = arith.addi %add3A_266, %convert_element_type3A_270 : vector<1x32xi32>
    %slice3A_272 = vector.extract_strided_slice %sub3A_224 {offsets = [0, 4], sizes = [1, 1], strides = [1, 1]} : vector<1x8xf32> to vector<1x1xf32>
    %ge3A_273 = vector.broadcast %slice3A_272 : vector<1x1xf32> to vector<1x32xf32>
    %ge3A_274 = arith.cmpf oge, %convert_element_type3A_250, %ge3A_273 : vector<1x32xf32>
    %convert_element_type3A_275 = arith.extui %ge3A_274 : vector<1x32xi1> to vector<1x32xi32>
    %add3A_276 = arith.addi %add3A_271, %convert_element_type3A_275 : vector<1x32xi32>
    %slice3A_277 = vector.extract_strided_slice %sub3A_224 {offsets = [0, 5], sizes = [1, 1], strides = [1, 1]} : vector<1x8xf32> to vector<1x1xf32>
    %ge3A_278 = vector.broadcast %slice3A_277 : vector<1x1xf32> to vector<1x32xf32>
    %ge3A_279 = arith.cmpf oge, %convert_element_type3A_250, %ge3A_278 : vector<1x32xf32>
    %convert_element_type3A_280 = arith.extui %ge3A_279 : vector<1x32xi1> to vector<1x32xi32>
    %add3A_281 = arith.addi %add3A_276, %convert_element_type3A_280 : vector<1x32xi32>
    %slice3A_282 = vector.extract_strided_slice %sub3A_224 {offsets = [0, 6], sizes = [1, 1], strides = [1, 1]} : vector<1x8xf32> to vector<1x1xf32>
    %ge3A_283 = vector.broadcast %slice3A_282 : vector<1x1xf32> to vector<1x32xf32>
    %ge3A_284 = arith.cmpf oge, %convert_element_type3A_250, %ge3A_283 : vector<1x32xf32>
    %convert_element_type3A_285 = arith.extui %ge3A_284 : vector<1x32xi1> to vector<1x32xi32>
    %add3A_286 = arith.addi %add3A_281, %convert_element_type3A_285 : vector<1x32xi32>
    %slice3A_287 = vector.extract_strided_slice %sub3A_224 {offsets = [0, 7], sizes = [1, 1], strides = [1, 1]} : vector<1x8xf32> to vector<1x1xf32>
    %ge3A_288 = vector.broadcast %slice3A_287 : vector<1x1xf32> to vector<1x32xf32>
    %ge3A_289 = arith.cmpf oge, %convert_element_type3A_250, %ge3A_288 : vector<1x32xf32>
    %convert_element_type3A_290 = arith.extui %ge3A_289 : vector<1x32xi1> to vector<1x32xi32>
    %add3A_291 = arith.addi %add3A_286, %convert_element_type3A_290 : vector<1x32xi32>
    %sub3A_292 = arith.constant 1 : i32
    %sub3A_293 = vector.broadcast %sub3A_292 : i32 to vector<1x32xi32>
    %sub3A_294 = arith.subi %add3A_291, %sub3A_293 : vector<1x32xi32>
    %swap3A_295 = arith.constant 0 : index
    %swap3A_296 = arith.constant 0 : index
    %swap3A_297 = vector.load %arg6[%swap3A_295, %swap3A_296] : memref<1x32xi32, #tpu.memory_space<vmem>>, vector<1x32xi32>
    tpu.vector_store %arg6[%swap3A_295, %swap3A_296], %sub3A_294 {strides = array<i32>} : memref<1x32xi32, #tpu.memory_space<vmem>>, vector<1x32xi32>,
    return
  }
}

module attributes {stable_mosaic.version = 14 : i64} {
  func.func @_gmm_body(%arg0: i32, %arg1: i32, %arg2: memref<32xi32, #tpu.memory_space<smem>>, %arg3: memref<5888x1024xbf16, #tpu.memory_space<vmem>>, %arg4: memref<1x512x1024xf32, #tpu.memory_space<vmem>>, %arg5: memref<1x512x1024xf32, #tpu.memory_space<vmem>>, %arg6: memref<1x1024x512xf32, #tpu.memory_space<vmem>>, %arg7: memref<5888x1024xf32, #tpu.memory_space<vmem>>) attributes {dimension_semantics = [#tpu.dimension_semantics<arbitrary>, #tpu.dimension_semantics<arbitrary>], iteration_bounds = array<i64: 4, 23>, scalar_prefetch = 1 : i64, scratch_operands = 0 : i64, tpu.core_type = #tpu.core_type<tc>, window_params = [{pipeline_mode = #tpu.pipeline_mode<synchronous>, transform_indices = @transform_0, window_bounds = array<i64: 5888, 1024>}, {transform_indices = @transform_1, window_bounds = array<i64: 1, 512, 1024>}, {transform_indices = @transform_2, window_bounds = array<i64: 1, 512, 1024>}, {transform_indices = @transform_3, window_bounds = array<i64: 1, 1024, 512>}, {pipeline_mode = #tpu.pipeline_mode<synchronous>, transform_indices = @transform_4, window_bounds = array<i64: 5888, 1024>}]} {
    %mul3A = arith.constant 256 : i32
    %mul3A_0 = arith.muli %arg1, %mul3A : i32
    %get3A = arith.index_cast %mul3A_0 : i32 to index
    %get3A_1 = arith.constant 0 : index
    %get3A_2 = vector.load %arg3[%get3A, %get3A_1] : memref<5888x1024xbf16, #tpu.memory_space<vmem>>, vector<256x1024xbf16>
    %get3A_3 = arith.constant 0 : index
    %get3A_4 = arith.constant 0 : index
    %get3A_5 = arith.constant 0 : index
    %get3A_6 = vector.load %arg4[%get3A_3, %get3A_4, %get3A_5] : memref<1x512x1024xf32, #tpu.memory_space<vmem>>, vector<1x512x1024xf32>
    %get3A_7 = vector.shape_cast %get3A_6 : vector<1x512x1024xf32> to vector<512x1024xf32>
    %convert_element_type3A = arith.truncf %get3A_7 : vector<512x1024xf32> to vector<512x1024xbf16>
    %get3A_8 = arith.constant 0 : index
    %get3A_9 = arith.constant 0 : index
    %get3A_10 = arith.constant 0 : index
    %get3A_11 = vector.load %arg5[%get3A_8, %get3A_9, %get3A_10] : memref<1x512x1024xf32, #tpu.memory_space<vmem>>, vector<1x512x1024xf32>
    %get3A_12 = vector.shape_cast %get3A_11 : vector<1x512x1024xf32> to vector<512x1024xf32>
    %convert_element_type3A_13 = arith.truncf %get3A_12 : vector<512x1024xf32> to vector<512x1024xbf16>
    %dot_general3A = arith.constant dense<0.000000e+00> : vector<256x512xf32>
    %dot_general3A_14 = tpu.matmul %get3A_2, %convert_element_type3A, %dot_general3A {dimension_numbers = #tpu.dot_dimension_numbers<[1], [1], [0], [0], [0, 0, 1, 0], [], []>, transpose_lhs_hint = false} : vector<256x1024xbf16>, vector<512x1024xbf16>, vector<256x512xf32> -> vector<256x512xf32>
    %dot_general3A_15 = arith.constant dense<0.000000e+00> : vector<256x512xf32>
    %dot_general3A_16 = tpu.matmul %get3A_2, %convert_element_type3A_13, %dot_general3A_15 {dimension_numbers = #tpu.dot_dimension_numbers<[1], [1], [0], [0], [0, 0, 1, 0], [], []>, transpose_lhs_hint = false} : vector<256x1024xbf16>, vector<512x1024xbf16>, vector<256x512xf32> -> vector<256x512xf32>
    %logistic3A = arith.negf %dot_general3A_14 : vector<256x512xf32>
    %logistic3A_17 = math.exp %logistic3A : vector<256x512xf32>
    %logistic3A_18 = arith.constant 1.000000e+00 : f32
    %logistic3A_19 = vector.broadcast %logistic3A_18 : f32 to vector<256x512xf32>
    %logistic3A_20 = arith.addf %logistic3A_19, %logistic3A_17 : vector<256x512xf32>
    %logistic3A_21 = arith.divf %logistic3A_19, %logistic3A_20 : vector<256x512xf32>
    %mul3A_22 = arith.mulf %dot_general3A_14, %logistic3A_21 : vector<256x512xf32>
    %mul3A_23 = arith.mulf %mul3A_22, %dot_general3A_16 : vector<256x512xf32>
    %convert_element_type3A_24 = arith.truncf %mul3A_23 : vector<256x512xf32> to vector<256x512xbf16>
    %get3A_25 = arith.constant 0 : index
    %get3A_26 = arith.constant 0 : index
    %get3A_27 = arith.constant 0 : index
    %get3A_28 = vector.load %arg6[%get3A_25, %get3A_26, %get3A_27] : memref<1x1024x512xf32, #tpu.memory_space<vmem>>, vector<1x1024x512xf32>
    %get3A_29 = vector.shape_cast %get3A_28 : vector<1x1024x512xf32> to vector<1024x512xf32>
    %convert_element_type3A_30 = arith.truncf %get3A_29 : vector<1024x512xf32> to vector<1024x512xbf16>
    %dot_general3A_31 = arith.constant dense<0.000000e+00> : vector<256x1024xf32>
    %dot_general3A_32 = tpu.matmul %convert_element_type3A_24, %convert_element_type3A_30, %dot_general3A_31 {dimension_numbers = #tpu.dot_dimension_numbers<[1], [1], [0], [0], [0, 0, 1, 0], [], []>, transpose_lhs_hint = false} : vector<256x512xbf16>, vector<1024x512xbf16>, vector<256x1024xf32> -> vector<256x1024xf32>
    %eq3A = arith.constant 0 : i32
    %eq3A_33 = arith.cmpi eq, %arg0, %eq3A : i32
    %convert_element_type3A_34 = arith.extui %eq3A_33 : i1 to i32
    %cond3A = arith.constant 0 : i32
    %cond3A_35 = arith.cmpi ne, %convert_element_type3A_34, %cond3A : i32
    scf.if %cond3A_35 {
      %swap3A = arith.index_cast %mul3A_0 : i32 to index
      %swap3A_40 = arith.constant 0 : index
      %swap3A_41 = vector.load %arg7[%swap3A, %swap3A_40] : memref<5888x1024xf32, #tpu.memory_space<vmem>>, vector<256x1024xf32>
      tpu.vector_store %arg7[%swap3A, %swap3A_40], %dot_general3A_32 {strides = array<i32>} : memref<5888x1024xf32, #tpu.memory_space<vmem>>, vector<256x1024xf32>,
    } else {
    }
    %ne3A = arith.constant 0 : i32
    %ne3A_36 = arith.cmpi ne, %arg0, %ne3A : i32
    %convert_element_type3A_37 = arith.extui %ne3A_36 : i1 to i32
    %cond3A_38 = arith.constant 0 : i32
    %cond3A_39 = arith.cmpi ne, %convert_element_type3A_37, %cond3A_38 : i32
    scf.if %cond3A_39 {
      %get3A_40 = arith.index_cast %mul3A_0 : i32 to index
      %get3A_41 = arith.constant 0 : index
      %get3A_42 = vector.load %arg7[%get3A_40, %get3A_41] : memref<5888x1024xf32, #tpu.memory_space<vmem>>, vector<256x1024xf32>
      %add3A = arith.addf %get3A_42, %dot_general3A_32 : vector<256x1024xf32>
      %swap3A = arith.index_cast %mul3A_0 : i32 to index
      %swap3A_43 = arith.constant 0 : index
      %swap3A_44 = vector.load %arg7[%swap3A, %swap3A_43] : memref<5888x1024xf32, #tpu.memory_space<vmem>>, vector<256x1024xf32>
      tpu.vector_store %arg7[%swap3A, %swap3A_43], %add3A {strides = array<i32>} : memref<5888x1024xf32, #tpu.memory_space<vmem>>, vector<256x1024xf32>,
    } else {
    }
    return
  }
  func.func @transform_0(%arg0: i32, %arg1: i32, %arg2: memref<32xi32, #tpu.memory_space<smem>>) -> (i32, i32) {
    %c0_i32 = arith.constant 0 : i32
    %c0_i32_0 = arith.constant 0 : i32
    %c0_i32_1 = arith.constant 0 : i32
    return %c0_i32, %c0_i32_0 : i32, i32
  }
  func.func @transform_1(%arg0: i32, %arg1: i32, %arg2: memref<32xi32, #tpu.memory_space<smem>>) -> (i32, i32, i32) {
    %get3A = arith.index_cast %arg1 : i32 to index
    %get3A_0 = memref.load %arg2[%get3A] : memref<32xi32, #tpu.memory_space<smem>>
    %c0_i32 = arith.constant 0 : i32
    %c0_i32_1 = arith.constant 0 : i32
    return %get3A_0, %arg0, %c0_i32 : i32, i32, i32
  }
  func.func @transform_2(%arg0: i32, %arg1: i32, %arg2: memref<32xi32, #tpu.memory_space<smem>>) -> (i32, i32, i32) {
    %get3A = arith.index_cast %arg1 : i32 to index
    %get3A_0 = memref.load %arg2[%get3A] : memref<32xi32, #tpu.memory_space<smem>>
    %add3A = arith.constant 4 : i32
    %add3A_1 = arith.addi %arg0, %add3A : i32
    %c0_i32 = arith.constant 0 : i32
    %c0_i32_2 = arith.constant 0 : i32
    return %get3A_0, %add3A_1, %c0_i32 : i32, i32, i32
  }
  func.func @transform_3(%arg0: i32, %arg1: i32, %arg2: memref<32xi32, #tpu.memory_space<smem>>) -> (i32, i32, i32) {
    %get3A = arith.index_cast %arg1 : i32 to index
    %get3A_0 = memref.load %arg2[%get3A] : memref<32xi32, #tpu.memory_space<smem>>
    %c0_i32 = arith.constant 0 : i32
    %c0_i32_1 = arith.constant 0 : i32
    return %get3A_0, %c0_i32, %arg0 : i32, i32, i32
  }
  func.func @transform_4(%arg0: i32, %arg1: i32, %arg2: memref<32xi32, #tpu.memory_space<smem>>) -> (i32, i32) {
    %c0_i32 = arith.constant 0 : i32
    %c0_i32_0 = arith.constant 0 : i32
    %c0_i32_1 = arith.constant 0 : i32
    return %c0_i32, %c0_i32_0 : i32, i32
  }
}

module attributes {stable_mosaic.version = 14 : i64} {
  func.func @_wsum_body(%arg0: i32, %arg1: memref<256x2xf32, #tpu.memory_space<vmem>>, %arg2: memref<256x1024xf32, #tpu.memory_space<vmem>>, %arg3: memref<256x1024xf32, #tpu.memory_space<vmem>>, %arg4: memref<256x1024xf32, #tpu.memory_space<vmem>>) attributes {dimension_semantics = [#tpu.dimension_semantics<arbitrary>], iteration_bounds = array<i64: 8>, scalar_prefetch = 0 : i64, scratch_operands = 0 : i64, tpu.core_type = #tpu.core_type<tc>, window_params = [{transform_indices = @transform_0, window_bounds = array<i64: 256, 2>}, {transform_indices = @transform_1, window_bounds = array<i64: 256, 1024>}, {transform_indices = @transform_2, window_bounds = array<i64: 256, 1024>}, {transform_indices = @transform_3, window_bounds = array<i64: 256, 1024>}]} {
    %get3A = arith.constant 0 : index
    %get3A_0 = arith.constant 0 : index
    %get3A_1 = vector.load %arg1[%get3A, %get3A_0] : memref<256x2xf32, #tpu.memory_space<vmem>>, vector<256x1xf32>
    %get3A_2 = arith.constant 0 : index
    %get3A_3 = arith.constant 0 : index
    %get3A_4 = vector.load %arg2[%get3A_2, %get3A_3] : memref<256x1024xf32, #tpu.memory_space<vmem>>, vector<256x1024xf32>
    %mul3A = vector.broadcast %get3A_1 : vector<256x1xf32> to vector<256x1024xf32>
    %mul3A_5 = arith.mulf %mul3A, %get3A_4 : vector<256x1024xf32>
    %get3A_6 = arith.constant 0 : index
    %get3A_7 = arith.constant 1 : index
    %get3A_8 = vector.load %arg1[%get3A_6, %get3A_7] : memref<256x2xf32, #tpu.memory_space<vmem>>, vector<256x1xf32>
    %get3A_9 = arith.constant 0 : index
    %get3A_10 = arith.constant 0 : index
    %get3A_11 = vector.load %arg3[%get3A_9, %get3A_10] : memref<256x1024xf32, #tpu.memory_space<vmem>>, vector<256x1024xf32>
    %mul3A_12 = vector.broadcast %get3A_8 : vector<256x1xf32> to vector<256x1024xf32>
    %mul3A_13 = arith.mulf %mul3A_12, %get3A_11 : vector<256x1024xf32>
    %add3A = arith.addf %mul3A_5, %mul3A_13 : vector<256x1024xf32>
    %swap3A = arith.constant 0 : index
    %swap3A_14 = arith.constant 0 : index
    %swap3A_15 = vector.load %arg4[%swap3A, %swap3A_14] : memref<256x1024xf32, #tpu.memory_space<vmem>>, vector<256x1024xf32>
    tpu.vector_store %arg4[%swap3A, %swap3A_14], %add3A {strides = array<i32>} : memref<256x1024xf32, #tpu.memory_space<vmem>>, vector<256x1024xf32>,
    return
  }
  func.func @transform_0(%arg0: i32) -> (i32, i32) {
    %c0_i32 = arith.constant 0 : i32
    %c0_i32_0 = arith.constant 0 : i32
    return %arg0, %c0_i32 : i32, i32
  }
  func.func @transform_1(%arg0: i32) -> (i32, i32) {
    %c0_i32 = arith.constant 0 : i32
    %c0_i32_0 = arith.constant 0 : i32
    return %arg0, %c0_i32 : i32, i32
  }
  func.func @transform_2(%arg0: i32) -> (i32, i32) {
    %add3A = arith.constant 8 : i32
    %add3A_0 = arith.addi %arg0, %add3A : i32
    %c0_i32 = arith.constant 0 : i32
    %c0_i32_1 = arith.constant 0 : i32
    return %add3A_0, %c0_i32 : i32, i32
  }
  func.func @transform_3(%arg0: i32) -> (i32, i32) {
    %c0_i32 = arith.constant 0 : i32
    %c0_i32_0 = arith.constant 0 : i32
    return %arg0, %c0_i32 : i32, i32
  }
}

</mosaic_0001>

<sc_bundles>
// kernel: kernel.10.cloned.1.call-start
scs
__scs_entry_jumppad:
0x0: {  	(pc) =	sbr.rel $0x88, $3  }
0x1: {  	(tag) =	ssettag $0x0;
	lr =	simm.s32 $0x1  }
0x2: {  	[smem:$0x3F9D] =	sst lr;
	_ =	strace $0xD0000000  }
0x3: {  	_ = 	snop  }
0x4: {  	_ = 	snop  }
0x5: {  	_ = 	snop  }
0x6: {  	_ = 	snop  }
0x7: {  	_ = 	snop  }
__scs_overlays_trampoline_lowered:
0x8: {  	[smem:$0x3FAC] =	sst s0  }
0x9: {  	[smem:$0x3FAD] =	sst s1  }
0xa: {  	[smem:$0x3FAE] =	sst s2  }
0xb: {  	[smem:$0x3FAF] =	sst s3  }
0xc: {  	[smem:$0x3FB0] =	sst s4  }
0xd: {  	[smem:$0x3FB1] =	sst s5  }
0xe: {  	[smem:$0x3FB2] =	sst s6  }
0xf: {  	[smem:$0x3FB3] =	sst s7  }
0x10: {  	[smem:$0x3FB4] =	sst s8  }
0x11: {  	[smem:$0x3FB5] =	sst s9;
	s0 =	simm.s32 @!p0 $0x0  }
0x12: {  	s1 =	sld [smem:$0x3F9B];
	s0 =	simm.s32 @p0 $0x1  }
0x13: {  	[smem:$0x3FB6] =	sst s0;
	s0 =	simm.s32 @!p1 $0x0  }
0x14: {  	s2 =	sld [smem:$0x3F9A];
	s0 =	simm.s32 @p1 $0x1  }
0x15: {  	[smem:$0x3FB7] =	sst s0;
	s0 =	simm.s32 @!p2 $0x0  }
0x16: {  	s3 =	sld [smem:$0x3FDB];
	s0 =	simm.s32 @p2 $0x1  }
0x17: {  	s4 =	simm.s32 $0x1BF5;
	[smem:$0x3FB9] =	sst s0  }
0x18: {  	s0 =	sld [smem:$0x3F9C];
	_ =	swait.ge [sflag:s4], $0x0  }
0x19: {  	s7 =	sld [smem:$0x3F9D]  }
0x1a: {  	s8 =	sadd.s32 $0xFFFFE003, lr  }
0x1b: {  	s9 =	sadd.s32 $0xFFFFFEF7, lr;
	s5 =	simm.s32 $0xFFFFFFFF;
	p2 =	slt.u32 s8, $0xFFFFF086  }
0x1c: {  	p1 =	slt.u32 s9, $0xF7A;
	s5 =	simm.s32 @!p2 $0x0  }
0x1d: {  	s5 =	simm.s32 @p1 $0x1;
	p0 =	seq.s32 s7, s2  }
0x1e: {  	s7 =	smul.u32 @!p0 $0xF7A, s2;
	p2 =	seq.s32 @!p0 s5, $0x0  }
0x1f: {  	s9 =	smul.u32 $0xF7A, s1;
	s8 =	simm.s32 @!p0 $0x1BF5;
	p2 =	por !p2, p0  }
0x20: {  	[sflag:s8] =	ssyncset.s32 @!p0 $0xFFFFF086;
	s6 =	sadd.s32 @!p0 s3, s7;
	s7 =	simm.s32 @!p0 $0x108  }
0x21: {  	s3 =	sadd.s32 s3, s9;
	s6 =	sadd.s32 @!p0 $0x88, s6;
	s7 =	simm.s32 @p2 $0x1082  }
0x22: {  	[simem:s7], [sflag:s8] =	dma.local @!p0 [hbm:s6], $0xF7A  }
0x23: {  	s9 =	sor.u32 $0xD0000000, s2;
	s6 =	simm.s32 $0x108;
	_ =	swait.ge @!p0 [sflag:s8], $0x0  }
0x24: {  	s3 =	sadd.s32 $0x88, s3;
	s6 =	simm.s32 @!p1 $0x1082;
	[sflag:s4] =	ssyncset.s32 $0xFFFFF086  }
0x25: {  	[simem:s6], [sflag:s4] =	dma.local [hbm:s3], $0xF7A  }
0x26: {  	[smem:$0x3F9D] =	sst s1;
	(tag) =	ssettag s2;
	_ =	strace s9  }
0x27: {  	s1 =	sld [smem:$0x3FAD]  }
0x28: {  	s2 =	sld [smem:$0x3FAE]  }
0x29: {  	s4 =	sld [smem:$0x3FB0]  }
0x2a: {  	p0 =	seq.s32 s5, $0x0;
	s5 =	sld [smem:$0x3FB1]  }
0x2b: {  	s6 =	sld [smem:$0x3FB2]  }
0x2c: {  	s7 =	sld [smem:$0x3FB3]  }
0x2d: {  	s3 =	simm.s32 $0x108;
	s8 =	sld [smem:$0x3FB4]  }
0x2e: {  	s3 =	simm.s32 @!p0 $0x1082;
	s9 =	sld [smem:$0x3FB5]  }
0x2f: {  	lr =	sadd.s32 s0, s3;
	s0 =	sld [smem:$0x3FAC]  }
0x30: {  	s3 =	sld [smem:$0x3FAF]  }
0x31: {  	[smem:$0x3FB8] =	sst s10  }
0x32: {  	s10 =	sld [smem:$0x3FB6];
	_ =	sdelay $0x3  }
0x33: {  	p0 =	seq.s32 s10, $0x1;
	s10 =	sld [smem:$0x3FB8];
	_ =	sdelay $0x3  }
0x34: {  	[smem:$0x3FB8] =	sst s10  }
0x35: {  	s10 =	sld [smem:$0x3FB7];
	_ =	sdelay $0x3  }
0x36: {  	p1 =	seq.s32 s10, $0x1;
	s10 =	sld [smem:$0x3FB8];
	_ =	sdelay $0x3  }
0x37: {  	[smem:$0x3FB8] =	sst s10  }
0x38: {  	s10 =	sld [smem:$0x3FB9]  }
0x39: {  	_ = 	snop;
	(pc) =	sbr.ind lr, $3  }
0x3a: {  	_ = 	snop  }
0x3b: {  	_ = 	snop  }
0x3c: {  	p2 =	seq.s32 s10, $0x1;
	s10 =	sld [smem:$0x3FB8]  }
0x3d: {  	_ =	shalt  }
0x3e: {  	_ =	shalt  }
0x3f: {  	_ =	shalt  }
0x40: {  	_ =	shalt  }
0x41: {  	_ =	shalt  }
0x42: {  	_ =	shalt  }
0x43: {  	_ =	shalt  }
0x44: {  	_ =	shalt  }
0x45: {  	_ =	shalt  }
0x46: {  	_ =	shalt  }
0x47: {  	_ =	shalt  }
0x48: {  	_ =	shalt  }
0x49: {  	_ =	shalt  }
0x4a: {  	_ =	shalt  }
0x4b: {  	_ =	shalt  }
0x4c: {  	_ =	shalt  }
0x4d: {  	_ =	shalt  }
0x4e: {  	_ =	shalt  }
0x4f: {  	_ =	shalt  }
0x50: {  	_ =	shalt  }
0x51: {  	_ =	shalt  }
0x52: {  	_ =	shalt  }
0x53: {  	_ =	shalt  }
0x54: {  	_ =	shalt  }
0x55: {  	_ =	shalt  }
0x56: {  	_ =	shalt  }
0x57: {  	_ =	shalt  }
0x58: {  	_ =	shalt  }
0x59: {  	_ =	shalt  }
0x5a: {  	_ =	shalt  }
0x5b: {  	_ =	shalt  }
0x5c: {  	_ =	shalt  }
0x5d: {  	_ =	shalt  }
0x5e: {  	_ =	shalt  }
0x5f: {  	_ =	shalt  }
0x60: {  	_ =	shalt  }
0x61: {  	_ =	shalt  }
0x62: {  	_ =	shalt  }
0x63: {  	_ =	shalt  }
0x64: {  	_ =	shalt  }
0x65: {  	_ =	shalt  }
0x66: {  	_ =	shalt  }
0x67: {  	_ =	shalt  }
0x68: {  	_ =	shalt  }
0x69: {  	_ =	shalt  }
0x6a: {  	_ =	shalt  }
0x6b: {  	_ =	shalt  }
0x6c: {  	_ =	shalt  }
0x6d: {  	_ =	shalt  }
0x6e: {  	_ =	shalt  }
0x6f: {  	_ =	shalt  }
0x70: {  	_ =	shalt  }
0x71: {  	_ =	shalt  }
0x72: {  	_ =	shalt  }
0x73: {  	_ =	shalt  }
0x74: {  	_ =	shalt  }
0x75: {  	_ =	shalt  }
0x76: {  	_ =	shalt  }
0x77: {  	_ =	shalt  }
0x78: {  	_ =	shalt  }
0x79: {  	_ =	shalt  }
0x7a: {  	_ =	shalt  }
0x7b: {  	_ =	shalt  }
0x7c: {  	_ =	shalt  }
0x7d: {  	_ =	shalt  }
0x7e: {  	_ =	shalt  }
0x7f: {  	_ =	shalt  }
0x80: {  	_ =	shalt  }
0x81: {  	_ =	shalt  }
0x82: {  	_ =	shalt  }
0x83: {  	_ =	shalt  }
0x84: {  	_ =	shalt  }
0x85: {  	_ =	shalt  }
0x86: {  	_ =	shalt  }
0x87: {  	_ =	shalt  }
.Lfunc_end0:
.L_simem_size_0:
called_computation.1_lowered:
.L_overlay_start_0:
0x88: {  	s2 =	sld [smem:$0x3FD9]  }
0x89: {  	s3 =	sld [smem:$0x3FFE];
	_ =	sdelay $0x1  }
0x8a: {  	s1 =	srdreg.scid  }
0x8b: {  	s0 =	sand.u32 $0x1, s1  }
0x8c: {  	s16 =	sshll.u32 s0, $0xA;
	s2 =	sadd.s32 s3, s2  }
0x8d: {  	s2 =	sadd.s32 s2, s16  }
0x8e: {  	[smem:$0x3FC4] =	sst s2  }
0x8f: {  	_ = 	snop  }
0x90: {  	(tm) =	ssettm $0x1  }
0x91: {  	s17 =	sld [smem:$0x3FFB];
	_ =	sdelay $0x3  }
0x92: {  	_ =	strace s17  }
0x93: {  	s2 =	sld [smem:$0x3FFC];
	_ =	sdelay $0x3  }
0x94: {  	_ =	strace s2  }
0x95: {  	s2 =	sld [smem:$0x3FFD];
	_ =	sdelay $0x3  }
0x96: {  	_ =	strace s2  }
0x97: {  	_ =	strace $0x8FFFFFFF  }
0x98: {  	s18 =	sld [smem:$0x3FDB];
	_ =	sdelay $0x1  }
0x99: {  	s19 =	simm.s32 $_scs_section_size  }
0x9a: {  	s4 =	simm.s32 $_size__tile_overlayer_lowered;
	s5 =	simm.s32 $_tile_overlayer_lowered  }
0x9b: {  	s22 =	simm.s32 $0x1BFF;
	s21 =	sshll.u32 s5, $0x1;
	s2 =	sadd.s32 s19, s18  }
0x9c: {  	s6 =	simm.s32 $0x0;
	s20 =	sshll.u32 s4, $0x1;
	s4 =	sadd.s32 s21, s2  }
0x9d: {  	[timem:s6], [sflag:s22] =	dma.local [hbm:s4], s20  }
0x9e: {  	_ =	swait.ge [sflag:s22], s20  }
0x9f: {  	s3 =	ssub.s32 $0x0, s20;
	[sflag:s22] =	ssyncset.done $0x0  }
0xa0: {  	[sflag:s22] =	ssyncadd.s32 s3;
	_ =	sdelay $0x1  }
0xa1: {  	s23 =	simm.s32 $0x1B8B  }
0xa2: {  	_ =	swait.ge [sflag:s23], $0x1  }
0xa3: {  	[sflag:s23] =	ssyncset.done $0x0  }
0xa4: {  	s25 =	simm.s32 $0x1B8E;
	s24 =	sld [smem:$0x3FFE];
	[sflag:s23] =	ssyncadd.s32 $0xFFFFFFFF  }
0xa5: {  	s26 =	simm.s32 $execute0_lowered;
	[smem:$0x3FD2] =	sst s25  }
0xa6: {  	s4 =	sshll.u32 s26, $0x1;
	_ =	strace $0x80000049;
	[dreg:$0x1] =	wrdreg $0xFFFFFFFF  }
0xa7: {  	s28 =	simm.s32 $_size_execute0_lowered;
	s2 =	sadd.s32 s2, s4;
	[dreg:$0x0] =	wrdreg $0x0  }
0xa8: {  	s4 =	sshll.u32 s28, $0x1;
	[dreg:$0x2] =	wrdreg s2  }
0xa9: {  	[dreg:$0x3] =	wrdreg s4  }
0xaa: {  	[dreg:$0x4] =	wrdreg $0xC0  }
0xab: {  	_ =	task [dreg:s6], $0x5FFFF  }
0xac: {  	[dreg:$0x1] =	wrdreg $0xFFFFFFFF  }
0xad: {  	[dreg:$0x0] =	wrdreg $0x60  }
0xae: {  	[dreg:$0x2] =	wrdreg s24  }
0xaf: {  	[dreg:$0x3] =	wrdreg $0x9  }
0xb0: {  	_ =	task.clear_ibuf [dreg:s6], $0x4FFFF;
	_ =	strace $0x90000049  }
0xb1: {  	s29 =	simm.s32 $0x9;
	_ =	strace $0x8000004B  }
0xb2: {  	_ =	swait.ge [sflag:s29], $0x1  }
0xb3: {  	[sflag:s29] =	ssyncadd.s32 $0xFFFFFFFF  }
0xb4: {  	_ =	strace $0x9000004B  }
0xb5: {  	_ =	sfence  }
0xb6: {  	s30 =	sld [smem:$0x0];
	_ =	sdelay $0x2  }
0xb7: {  	s31 =	sshll.u32 s1, $0xD;
	s1 =	sshrl.u32 s1, $0x2  }
0xb8: {  	s3 =	sand.u32 $0x4000, s31;
	s1 =	sadd.s32 s1, s30  }
0xb9: {  	s0 =	sor.u32 s3, s0;
	s1 =	sshll.u32 s1, $0x11  }
0xba: {  	s0 =	sor.u32 s1, s0  }
0xbb: {  	s0 =	sadd.s32 $0x8F2B, s0  }
0xbc: {  	[sflag:s0] =	ssyncadd.remote.s32 $0x1  }
0xbd: {  	_ =	sfence.sel $0xFFFF  }
0xbe: {  	[dreg:$0x0] =	wrdreg $0xFFFFFFFF;
	(pc) =	sbr.abs _section_cstart, $3  }
0xbf: {  	[dreg:$0x1] =	wrdreg $0xFFFFFFFF  }
0xc0: {  	_ =	task.clear_ibuf [dreg:s6], $0x2FFFF;
	_ =	strace $0x9FFFFFFF  }
0xc1: {  	(tm) =	ssettm $0x7FFFFFFF  }
tec
execute0_lowered:
.L_overlay_start_1:
0x0: {  	(tag) =	ssettag $0x1  }
0x1: {  	s0 =	rddreg [dreg:$0x0]  }
0x2: {  	s1 =	srdreg.scid;
	s3 =	stileid.u32  }
0x3: {  	s2 =	simm.s32 $0x0;
	s26 =	simm.s32 $0x80;
	s8 =	simm.s32 $0x2  }
0x4: {  	s18 =	simm.s32 $0x1;
	s21 =	simm.s32 $0x1100;
	s28 =	simm.s32 $0x4100  }
0x5: {  	s29 =	simm.s32 $0x4900;
	s30 =	simm.s32 $0x5100;
	s31 =	simm.s32 $0x5900  }
0x6: {  	s10 =	simm.s32 $0x7100;
	s11 =	simm.s32 $0x7900;
	s12 =	simm.s32 $0x8100  }
0x7: {  	s13 =	simm.s32 $0x8900;
	s14 =	simm.s32 $0x9100;
	s15 =	simm.s32 $0x9900  }
0x8: {  	s16 =	simm.s32 $0xA100;
	s17 =	simm.s32 $0xA900;
	s9 =	simm.s32 $0xB100  }
0x9: {  	s1 =	sand.u32 $0x1, s1;
	s3 =	sshll.u32 s3, $0x7;
	[smem:$0x7FF] =	sst s2  }
0xa: {  	s4 =	sshll.u32 s1, $0x6;
	_ =	strace $0x8000004A;
	s1 =	ssub.s32 $0x2, s1  }
0xb: {  	[dreg:$0x6] =	wrdreg s26;
	s26 =	simm.s32 $0x3900;
	s4 =	sor.u32 s4, s3  }
0xc: {  	s3 =	sadd.s32 $0x64C00, s0;
	s22 =	sshrl.u32 s1, $0x1;
	s5 =	sshrl.u32 s4, $0x3  }
0xd: {  	s4 =	sshll.u32 s4, $0x7;
	s1 =	ssub.s32 s1, s22;
	s5 =	sadd.s32 s5, s0  }
0xe: {  	s22 =	simm.s32 $0x1900;
	s6 =	sadd.s32 s4, s0;
	s7 =	sadd.s32 $0x8800, s5  }
0xf: {  	s4 =	sadd.s32 $0x64D00, s0;
	s23 =	sadd.s32 $0x8A00, s5;
	[dreg:$0x2] =	wrdreg s7  }
0x10: {  	s24 =	sadd.s32 $0x11CC00, s6;
	s5 =	sadd.s32 $0x64E00, s0;
	[dreg:$0x3] =	wrdreg s23  }
0x11: {  	v2 =	vlaneseq.u32;
	s25 =	sadd.s32 $0x15CC00, s6;
	s6 =	sadd.s32 $0x64F00, s0;
	[dreg:$0x4] =	wrdreg s24  }
0x12: {  	vm0 =	vmmov $0xffff;
	v1 =	vshrl.u32 v2, $0x3;
	s0 =	simm.s32 $0x100;
	[dreg:$0x5] =	wrdreg s25;
	s7 =	smax.u32 s1, $0x1  }
0x13: {  	v0 =	vand.u32 $0x7, v2;
	v2 =	vor.u32 $0x8, v2;
	v1 =	vmul.u32 $0x8, v1;
	s23 =	simm.s32 $0x2100;
	s24 =	simm.s32 $0x2900;
	s25 =	simm.s32 $0x3100  }
.LBB2_1:
0x14: {  	s19 =	rddreg [dreg:$0x2]  }
0x15: {  	[tilespmem:s2], [sflag:$0x2] =	stream.linear.gather [hbm4b:s19+s2], $0x40, $0x38;
	[tilespmem:$0x10100] =	vst v63  }
0x16: {  	_ =	swait.ge [sflag:s8], $0x40  }
0x17: {  	s1 =	rddreg [dreg:$0x3];
	[sflag:s8] =	ssyncset.done $0x0  }
0x18: {  	s20 =	rddreg [dreg:$0x6];
	[sflag:s8] =	ssyncadd.s32 $0xFFFFFFC0  }
0x19: {  	[tilespmem:s20], [sflag:$0x2] =	stream.linear.gather [hbm4b:s1+s2], $0x40, $0x38;
	[tilespmem:$0x10100] =	vst v63  }
0x1a: {  	_ =	swait.ge [sflag:s8], $0x40  }
0x1b: {  	[sflag:s8] =	ssyncset.done $0x0  }
0x1c: {  	[sflag:s8] =	ssyncadd.s32 $0xFFFFFFC0  }
0x1d: {  	v3 =	vld [tilespmem:$0x0];
	_ =	sdelay $0x4  }
0x1e: {  	v4 =	vshll.u32 v3, $0x3  }
0x1f: {  	v3 =	vand.u32 $0x7, v3;
	v4 =	vand.u32 $0xFFFFFFC0, v4  }
0x20: {  	v3 =	vor.u32 v3, v4  }
0x21: {  	v4 =	vperm.xlane v3, v0;
	_ =	sdelay $0x1  }
0x22: {  	v4 =	vadd.s32 v1, v4;
	_ =	sdelay $0x4  }
0x23: {  	[tilespmem:s0], [sflag:$0x1] =	stream.indirect_vreg.gather [hbm4b:s3+s2], $0x80, v4, vm0, $0xb8;
	[tilespmem:$0x10100] =	vst v63  }
0x24: {  	s20 =	simm.s32 $0x900;
	v3 =	vperm.xlane v3, v2  }
0x25: {  	[tilespmem:s20], [sflag:$0x1] =	stream.indirect_vreg.gather [hbm4b:s4+s2], $0x80, v4, vm0, $0xb8;
	[tilespmem:$0x10100] =	vst v63  }
0x26: {  	v3 =	vadd.s32 v1, v3  }
0x27: {  	[tilespmem:s21], [sflag:$0x1] =	stream.indirect_vreg.gather [hbm4b:s5+s2], $0x80, v4, vm0, $0xb8;
	[tilespmem:$0x10100] =	vst v63  }
0x28: {  	_ = 	snop  }
0x29: {  	[tilespmem:s22], [sflag:$0x1] =	stream.indirect_vreg.gather [hbm4b:s6+s2], $0x80, v4, vm0, $0xb8;
	[tilespmem:$0x10100] =	vst v63  }
0x2a: {  	_ = 	snop  }
0x2b: {  	[tilespmem:s23], [sflag:$0x1] =	stream.indirect_vreg.gather [hbm4b:s3+s2], $0x80, v3, vm0, $0xb8;
	[tilespmem:$0x10100] =	vst v63  }
0x2c: {  	_ = 	snop  }
0x2d: {  	[tilespmem:s24], [sflag:$0x1] =	stream.indirect_vreg.gather [hbm4b:s4+s2], $0x80, v3, vm0, $0xb8;
	[tilespmem:$0x10100] =	vst v63  }
0x2e: {  	_ = 	snop  }
0x2f: {  	[tilespmem:s25], [sflag:$0x1] =	stream.indirect_vreg.gather [hbm4b:s5+s2], $0x80, v3, vm0, $0xb8;
	[tilespmem:$0x10100] =	vst v63  }
0x30: {  	_ = 	snop  }
0x31: {  	[tilespmem:s26], [sflag:$0x1] =	stream.indirect_vreg.gather [hbm4b:s6+s2], $0x80, v3, vm0, $0xb8;
	[tilespmem:$0x10100] =	vst v63  }
0x32: {  	v3 =	vld [tilespmem:$0x10];
	_ =	sdelay $0x4  }
0x33: {  	v57 =	vshll.u32 v3, $0x3  }
0x34: {  	v3 =	vand.u32 $0x7, v3;
	v4 =	vand.u32 $0xFFFFFFC0, v57  }
0x35: {  	v3 =	vor.u32 v3, v4  }
0x36: {  	v4 =	vperm.xlane v3, v0;
	_ =	sdelay $0x1  }
0x37: {  	v4 =	vadd.s32 v1, v4;
	_ =	sdelay $0x4  }
0x38: {  	[tilespmem:s28], [sflag:$0x1] =	stream.indirect_vreg.gather [hbm4b:s3+s2], $0x80, v4, vm0, $0xb8;
	[tilespmem:$0x10100] =	vst v63  }
0x39: {  	v3 =	vperm.xlane v3, v2  }
0x3a: {  	[tilespmem:s29], [sflag:$0x1] =	stream.indirect_vreg.gather [hbm4b:s4+s2], $0x80, v4, vm0, $0xb8;
	[tilespmem:$0x10100] =	vst v63  }
0x3b: {  	v3 =	vadd.s32 v1, v3  }
0x3c: {  	[tilespmem:s30], [sflag:$0x1] =	stream.indirect_vreg.gather [hbm4b:s5+s2], $0x80, v4, vm0, $0xb8;
	[tilespmem:$0x10100] =	vst v63  }
0x3d: {  	_ = 	snop  }
0x3e: {  	[tilespmem:s31], [sflag:$0x1] =	stream.indirect_vreg.gather [hbm4b:s6+s2], $0x80, v4, vm0, $0xb8;
	[tilespmem:$0x10100] =	vst v63  }
0x3f: {  	s1 =	simm.s32 $0x6100  }
0x40: {  	[tilespmem:s1], [sflag:$0x1] =	stream.indirect_vreg.gather [hbm4b:s3+s2], $0x80, v3, vm0, $0xb8;
	[tilespmem:$0x10100] =	vst v63  }
0x41: {  	s1 =	simm.s32 $0x6900  }
0x42: {  	[tilespmem:s1], [sflag:$0x1] =	stream.indirect_vreg.gather [hbm4b:s4+s2], $0x80, v3, vm0, $0xb8;
	[tilespmem:$0x10100] =	vst v63  }
0x43: {  	_ = 	snop  }
0x44: {  	[tilespmem:s10], [sflag:$0x1] =	stream.indirect_vreg.gather [hbm4b:s5+s2], $0x80, v3, vm0, $0xb8;
	[tilespmem:$0x10100] =	vst v63  }
0x45: {  	_ = 	snop  }
0x46: {  	[tilespmem:s11], [sflag:$0x1] =	stream.indirect_vreg.gather [hbm4b:s6+s2], $0x80, v3, vm0, $0xb8;
	[tilespmem:$0x10100] =	vst v63  }
0x47: {  	v3 =	vld [tilespmem:$0x20];
	_ =	sdelay $0x4  }
0x48: {  	v58 =	vshll.u32 v3, $0x3  }
0x49: {  	v3 =	vand.u32 $0x7, v3;
	v4 =	vand.u32 $0xFFFFFFC0, v58  }
0x4a: {  	v3 =	vor.u32 v3, v4  }
0x4b: {  	v4 =	vperm.xlane v3, v0;
	_ =	sdelay $0x1  }
0x4c: {  	v4 =	vadd.s32 v1, v4;
	_ =	sdelay $0x4  }
0x4d: {  	[tilespmem:s12], [sflag:$0x1] =	stream.indirect_vreg.gather [hbm4b:s3+s2], $0x80, v4, vm0, $0xb8;
	[tilespmem:$0x10100] =	vst v63  }
0x4e: {  	v3 =	vperm.xlane v3, v2  }
0x4f: {  	[tilespmem:s13], [sflag:$0x1] =	stream.indirect_vreg.gather [hbm4b:s4+s2], $0x80, v4, vm0, $0xb8;
	[tilespmem:$0x10100] =	vst v63  }
0x50: {  	v3 =	vadd.s32 v1, v3  }
0x51: {  	[tilespmem:s14], [sflag:$0x1] =	stream.indirect_vreg.gather [hbm4b:s5+s2], $0x80, v4, vm0, $0xb8;
	[tilespmem:$0x10100] =	vst v63  }
0x52: {  	_ = 	snop  }
0x53: {  	[tilespmem:s15], [sflag:$0x1] =	stream.indirect_vreg.gather [hbm4b:s6+s2], $0x80, v4, vm0, $0xb8;
	[tilespmem:$0x10100] =	vst v63  }
0x54: {  	_ = 	snop  }
0x55: {  	[tilespmem:s16], [sflag:$0x1] =	stream.indirect_vreg.gather [hbm4b:s3+s2], $0x80, v3, vm0, $0xb8;
	[tilespmem:$0x10100] =	vst v63  }
0x56: {  	_ = 	snop  }
0x57: {  	[tilespmem:s17], [sflag:$0x1] =	stream.indirect_vreg.gather [hbm4b:s4+s2], $0x80, v3, vm0, $0xb8;
	[tilespmem:$0x10100] =	vst v63  }
0x58: {  	_ = 	snop  }
0x59: {  	[tilespmem:s9], [sflag:$0x1] =	stream.indirect_vreg.gather [hbm4b:s5+s2], $0x80, v3, vm0, $0xb8;
	[tilespmem:$0x10100] =	vst v63  }
0x5a: {  	s19 =	simm.s32 $0xB900  }
0x5b: {  	[tilespmem:s19], [sflag:$0x1] =	stream.indirect_vreg.gather [hbm4b:s6+s2], $0x80, v3, vm0, $0xb8;
	[tilespmem:$0x10100] =	vst v63  }
0x5c: {  	v3 =	vld [tilespmem:$0x30];
	_ =	sdelay $0x4  }
0x5d: {  	v59 =	vshll.u32 v3, $0x3  }
0x5e: {  	v3 =	vand.u32 $0x7, v3;
	v4 =	vand.u32 $0xFFFFFFC0, v59  }
0x5f: {  	v3 =	vor.u32 v3, v4  }
0x60: {  	v4 =	vperm.xlane v3, v0;
	_ =	sdelay $0x1  }
0x61: {  	v4 =	vadd.s32 v1, v4;
	_ =	sdelay $0x3  }
0x62: {  	s19 =	simm.s32 $0xC100  }
0x63: {  	[tilespmem:s19], [sflag:$0x1] =	stream.indirect_vreg.gather [hbm4b:s3+s2], $0x80, v4, vm0, $0xb8;
	[tilespmem:$0x10100] =	vst v63  }
0x64: {  	v3 =	vperm.xlane v3, v2;
	s19 =	simm.s32 $0xC900  }
0x65: {  	[tilespmem:s19], [sflag:$0x1] =	stream.indirect_vreg.gather [hbm4b:s4+s2], $0x80, v4, vm0, $0xb8;
	[tilespmem:$0x10100] =	vst v63  }
0x66: {  	v3 =	vadd.s32 v1, v3;
	s19 =	simm.s32 $0xD100  }
0x67: {  	[tilespmem:s19], [sflag:$0x1] =	stream.indirect_vreg.gather [hbm4b:s5+s2], $0x80, v4, vm0, $0xb8;
	[tilespmem:$0x10100] =	vst v63  }
0x68: {  	s19 =	simm.s32 $0xD900  }
0x69: {  	[tilespmem:s19], [sflag:$0x1] =	stream.indirect_vreg.gather [hbm4b:s6+s2], $0x80, v4, vm0, $0xb8;
	[tilespmem:$0x10100] =	vst v63  }
0x6a: {  	s19 =	simm.s32 $0xE100  }
0x6b: {  	[tilespmem:s19], [sflag:$0x1] =	stream.indirect_vreg.gather [hbm4b:s3+s2], $0x80, v3, vm0, $0xb8;
	[tilespmem:$0x10100] =	vst v63  }
0x6c: {  	s19 =	simm.s32 $0xE900  }
0x6d: {  	[tilespmem:s19], [sflag:$0x1] =	stream.indirect_vreg.gather [hbm4b:s4+s2], $0x80, v3, vm0, $0xb8;
	[tilespmem:$0x10100] =	vst v63  }
0x6e: {  	s19 =	simm.s32 $0xF100  }
0x6f: {  	[tilespmem:s19], [sflag:$0x1] =	stream.indirect_vreg.gather [hbm4b:s5+s2], $0x80, v3, vm0, $0xb8;
	[tilespmem:$0x10100] =	vst v63  }
0x70: {  	s19 =	simm.s32 $0xF900  }
0x71: {  	[tilespmem:s19], [sflag:$0x1] =	stream.indirect_vreg.gather [hbm4b:s6+s2], $0x80, v3, vm0, $0xb8;
	[tilespmem:$0x10100] =	vst v63  }
0x72: {  	_ =	swait.ge [sflag:s18], $0x10000  }
0x73: {  	[sflag:s18] =	ssyncset.done $0x0  }
0x74: {  	s19 =	rddreg [dreg:$0x4];
	[sflag:s18] =	ssyncadd.s32 $0xFFFF0000  }
0x75: {  	[hbm4b:s19+s2] =	stream.linear.scatter [tilespmem:s0], [sflag:$0x2], $0x10000, $0x38;
	[tilespmem:$0x10100] =	vst v63  }
0x76: {  	_ =	swait.ge [sflag:s8], $0x10000  }
0x77: {  	[sflag:s8] =	ssyncset.done $0x0  }
0x78: {  	[sflag:s8] =	ssyncadd.s32 $0xFFFF0000  }
0x79: {  	v3 =	vld [tilespmem:$0x80];
	_ =	sdelay $0x4  }
0x7a: {  	v60 =	vshll.u32 v3, $0x3  }
0x7b: {  	v3 =	vand.u32 $0x7, v3;
	v4 =	vand.u32 $0xFFFFFFC0, v60  }
0x7c: {  	v3 =	vor.u32 v3, v4  }
0x7d: {  	v4 =	vperm.xlane v3, v0;
	_ =	sdelay $0x1  }
0x7e: {  	v4 =	vadd.s32 v1, v4;
	_ =	sdelay $0x4  }
0x7f: {  	[tilespmem:s0], [sflag:$0x1] =	stream.indirect_vreg.gather [hbm4b:s3+s2], $0x80, v4, vm0, $0xb8;
	[tilespmem:$0x10100] =	vst v63  }
0x80: {  	v3 =	vperm.xlane v3, v2  }
0x81: {  	[tilespmem:s20], [sflag:$0x1] =	stream.indirect_vreg.gather [hbm4b:s4+s2], $0x80, v4, vm0, $0xb8;
	[tilespmem:$0x10100] =	vst v63  }
0x82: {  	v3 =	vadd.s32 v1, v3  }
0x83: {  	[tilespmem:s21], [sflag:$0x1] =	stream.indirect_vreg.gather [hbm4b:s5+s2], $0x80, v4, vm0, $0xb8;
	[tilespmem:$0x10100] =	vst v63  }
0x84: {  	_ = 	snop  }
0x85: {  	[tilespmem:s22], [sflag:$0x1] =	stream.indirect_vreg.gather [hbm4b:s6+s2], $0x80, v4, vm0, $0xb8;
	[tilespmem:$0x10100] =	vst v63  }
0x86: {  	_ = 	snop  }
0x87: {  	[tilespmem:s23], [sflag:$0x1] =	stream.indirect_vreg.gather [hbm4b:s3+s2], $0x80, v3, vm0, $0xb8;
	[tilespmem:$0x10100] =	vst v63  }
0x88: {  	_ = 	snop  }
0x89: {  	[tilespmem:s24], [sflag:$0x1] =	stream.indirect_vreg.gather [hbm4b:s4+s2], $0x80, v3, vm0, $0xb8;
	[tilespmem:$0x10100] =	vst v63  }
0x8a: {  	_ = 	snop  }
0x8b: {  	[tilespmem:s25], [sflag:$0x1] =	stream.indirect_vreg.gather [hbm4b:s5+s2], $0x80, v3, vm0, $0xb8;
	[tilespmem:$0x10100] =	vst v63  }
0x8c: {  	_ = 	snop  }
0x8d: {  	[tilespmem:s26], [sflag:$0x1] =	stream.indirect_vreg.gather [hbm4b:s6+s2], $0x80, v3, vm0, $0xb8;
	[tilespmem:$0x10100] =	vst v63  }
0x8e: {  	v3 =	vld [tilespmem:$0x90];
	_ =	sdelay $0x4  }
0x8f: {  	v61 =	vshll.u32 v3, $0x3  }
0x90: {  	v3 =	vand.u32 $0x7, v3;
	v4 =	vand.u32 $0xFFFFFFC0, v61  }
0x91: {  	v3 =	vor.u32 v3, v4  }
0x92: {  	v4 =	vperm.xlane v3, v0;
	_ =	sdelay $0x1  }
0x93: {  	v4 =	vadd.s32 v1, v4;
	_ =	sdelay $0x4  }
0x94: {  	[tilespmem:s28], [sflag:$0x1] =	stream.indirect_vreg.gather [hbm4b:s3+s2], $0x80, v4, vm0, $0xb8;
	[tilespmem:$0x10100] =	vst v63  }
0x95: {  	v3 =	vperm.xlane v3, v2  }
0x96: {  	[tilespmem:s29], [sflag:$0x1] =	stream.indirect_vreg.gather [hbm4b:s4+s2], $0x80, v4, vm0, $0xb8;
	[tilespmem:$0x10100] =	vst v63  }
0x97: {  	v3 =	vadd.s32 v1, v3  }
0x98: {  	[tilespmem:s30], [sflag:$0x1] =	stream.indirect_vreg.gather [hbm4b:s5+s2], $0x80, v4, vm0, $0xb8;
	[tilespmem:$0x10100] =	vst v63  }
0x99: {  	_ = 	snop  }
0x9a: {  	[tilespmem:s31], [sflag:$0x1] =	stream.indirect_vreg.gather [hbm4b:s6+s2], $0x80, v4, vm0, $0xb8;
	[tilespmem:$0x10100] =	vst v63  }
0x9b: {  	s20 =	simm.s32 $0x6100  }
0x9c: {  	[tilespmem:s20], [sflag:$0x1] =	stream.indirect_vreg.gather [hbm4b:s3+s2], $0x80, v3, vm0, $0xb8;
	[tilespmem:$0x10100] =	vst v63  }
0x9d: {  	_ = 	snop  }
0x9e: {  	[tilespmem:s1], [sflag:$0x1] =	stream.indirect_vreg.gather [hbm4b:s4+s2], $0x80, v3, vm0, $0xb8;
	[tilespmem:$0x10100] =	vst v63  }
0x9f: {  	_ = 	snop  }
0xa0: {  	[tilespmem:s10], [sflag:$0x1] =	stream.indirect_vreg.gather [hbm4b:s5+s2], $0x80, v3, vm0, $0xb8;
	[tilespmem:$0x10100] =	vst v63  }
0xa1: {  	_ = 	snop  }
0xa2: {  	[tilespmem:s11], [sflag:$0x1] =	stream.indirect_vreg.gather [hbm4b:s6+s2], $0x80, v3, vm0, $0xb8;
	[tilespmem:$0x10100] =	vst v63  }
0xa3: {  	v3 =	vld [tilespmem:$0xA0];
	_ =	sdelay $0x4  }
0xa4: {  	v62 =	vshll.u32 v3, $0x3  }
0xa5: {  	v3 =	vand.u32 $0x7, v3;
	v4 =	vand.u32 $0xFFFFFFC0, v62  }
0xa6: {  	v3 =	vor.u32 v3, v4  }
0xa7: {  	v4 =	vperm.xlane v3, v0;
	_ =	sdelay $0x1  }
0xa8: {  	v4 =	vadd.s32 v1, v4;
	_ =	sdelay $0x4  }
0xa9: {  	[tilespmem:s12], [sflag:$0x1] =	stream.indirect_vreg.gather [hbm4b:s3+s2], $0x80, v4, vm0, $0xb8;
	[tilespmem:$0x10100] =	vst v63  }
0xaa: {  	v3 =	vperm.xlane v3, v2  }
0xab: {  	[tilespmem:s13], [sflag:$0x1] =	stream.indirect_vreg.gather [hbm4b:s4+s2], $0x80, v4, vm0, $0xb8;
	[tilespmem:$0x10100] =	vst v63  }
0xac: {  	v3 =	vadd.s32 v1, v3  }
0xad: {  	[tilespmem:s14], [sflag:$0x1] =	stream.indirect_vreg.gather [hbm4b:s5+s2], $0x80, v4, vm0, $0xb8;
	[tilespmem:$0x10100] =	vst v63  }
0xae: {  	_ = 	snop  }
0xaf: {  	[tilespmem:s15], [sflag:$0x1] =	stream.indirect_vreg.gather [hbm4b:s6+s2], $0x80, v4, vm0, $0xb8;
	[tilespmem:$0x10100] =	vst v63  }
0xb0: {  	_ = 	snop  }
0xb1: {  	[tilespmem:s16], [sflag:$0x1] =	stream.indirect_vreg.gather [hbm4b:s3+s2], $0x80, v3, vm0, $0xb8;
	[tilespmem:$0x10100] =	vst v63  }
0xb2: {  	_ = 	snop  }
0xb3: {  	[tilespmem:s17], [sflag:$0x1] =	stream.indirect_vreg.gather [hbm4b:s4+s2], $0x80, v3, vm0, $0xb8;
	[tilespmem:$0x10100] =	vst v63  }
0xb4: {  	_ = 	snop  }
0xb5: {  	[tilespmem:s9], [sflag:$0x1] =	stream.indirect_vreg.gather [hbm4b:s5+s2], $0x80, v3, vm0, $0xb8;
	[tilespmem:$0x10100] =	vst v63  }
0xb6: {  	s19 =	simm.s32 $0xB900  }
0xb7: {  	[tilespmem:s19], [sflag:$0x1] =	stream.indirect_vreg.gather [hbm4b:s6+s2], $0x80, v3, vm0, $0xb8;
	[tilespmem:$0x10100] =	vst v63  }
0xb8: {  	v3 =	vld [tilespmem:$0xB0];
	_ =	sdelay $0x4  }
0xb9: {  	v63 =	vshll.u32 v3, $0x3  }
0xba: {  	v3 =	vand.u32 $0x7, v3;
	v4 =	vand.u32 $0xFFFFFFC0, v63  }
0xbb: {  	v3 =	vor.u32 v3, v4  }
0xbc: {  	v4 =	vperm.xlane v3, v0;
	_ =	sdelay $0x1  }
0xbd: {  	v4 =	vadd.s32 v1, v4;
	_ =	sdelay $0x3  }
0xbe: {  	s20 =	simm.s32 $0xC100  }
0xbf: {  	[tilespmem:s20], [sflag:$0x1] =	stream.indirect_vreg.gather [hbm4b:s3+s2], $0x80, v4, vm0, $0xb8;
	[tilespmem:$0x10100] =	vst v63  }
0xc0: {  	s19 =	simm.s32 $0xC900;
	v3 =	vperm.xlane v3, v2  }
0xc1: {  	[tilespmem:s19], [sflag:$0x1] =	stream.indirect_vreg.gather [hbm4b:s4+s2], $0x80, v4, vm0, $0xb8;
	[tilespmem:$0x10100] =	vst v63  }
0xc2: {  	v3 =	vadd.s32 v1, v3;
	s20 =	simm.s32 $0xD100  }
0xc3: {  	[tilespmem:s20], [sflag:$0x1] =	stream.indirect_vreg.gather [hbm4b:s5+s2], $0x80, v4, vm0, $0xb8;
	[tilespmem:$0x10100] =	vst v63  }
0xc4: {  	s19 =	simm.s32 $0xD900  }
0xc5: {  	[tilespmem:s19], [sflag:$0x1] =	stream.indirect_vreg.gather [hbm4b:s6+s2], $0x80, v4, vm0, $0xb8;
	[tilespmem:$0x10100] =	vst v63  }
0xc6: {  	s20 =	simm.s32 $0xE100  }
0xc7: {  	[tilespmem:s20], [sflag:$0x1] =	stream.indirect_vreg.gather [hbm4b:s3+s2], $0x80, v3, vm0, $0xb8;
	[tilespmem:$0x10100] =	vst v63  }
0xc8: {  	s19 =	simm.s32 $0xE900  }
0xc9: {  	[tilespmem:s19], [sflag:$0x1] =	stream.indirect_vreg.gather [hbm4b:s4+s2], $0x80, v3, vm0, $0xb8;
	[tilespmem:$0x10100] =	vst v63  }
0xca: {  	s20 =	simm.s32 $0xF100  }
0xcb: {  	[tilespmem:s20], [sflag:$0x1] =	stream.indirect_vreg.gather [hbm4b:s5+s2], $0x80, v3, vm0, $0xb8;
	[tilespmem:$0x10100] =	vst v63  }
0xcc: {  	s19 =	simm.s32 $0xF900  }
0xcd: {  	[tilespmem:s19], [sflag:$0x1] =	stream.indirect_vreg.gather [hbm4b:s6+s2], $0x80, v3, vm0, $0xb8;
	[tilespmem:$0x10100] =	vst v63  }
0xce: {  	_ =	swait.ge [sflag:s18], $0x10000  }
0xcf: {  	p0 =	sne.s32 s7, $0x1;
	[sflag:s18] =	ssyncset.done $0x0  }
.Ltmp0:
0xd0: {  	s20 =	rddreg [dreg:$0x5];
	[sflag:s18] =	ssyncadd.s32 $0xFFFF0000;
	(pc) =	sbr.rel @p0 .LBB2_1-.Ltmp0, $4  }
0xd1: {  	[hbm4b:s20+s2] =	stream.linear.scatter [tilespmem:s0], [sflag:$0x2], $0x10000, $0x38;
	[tilespmem:$0x10100] =	vst v63  }
0xd2: {  	_ =	swait.ge [sflag:s8], $0x10000  }
0xd3: {  	[sflag:s8] =	ssyncset.done $0x0  }
0xd4: {  	s7 =	sadd.s32 $0xFFFFFFFF, s7;
	[sflag:s8] =	ssyncadd.s32 $0xFFFF0000  }
0xd5: {  	_ =	sfence.sel $0x180000  }
0xd6: {  	[bflag:$0x0] =	sbarrier.arrive $0xFFFF  }
0xd7: {  	_ =	strace $0x9000004A  }
0xd8: {  	s0 =	stileid.u32;
	[bflag:$0x2] =	sbarrier.arrive $0xFFFF  }
0xd9: {  	p0 =	sne.s32 s0, $0x0;
	s0 =	rddreg [dreg:$0x1]  }
0xda: {  	s0 =	sadd.s32 @!p0 $0x100000, s0  }
0xdb: {  	[sflag:s0] =	ssyncadd.tile.s32 @!p0 $0x1;
	_ =	shalt  }
.Lfunc_end2:
_tile_overlayer_lowered:
.L_overlay_start_2:
0xdc: {  	(tag) =	ssettag $0x2  }
0xdd: {  	s0 =	rddreg [dreg:$0x0];
	s2 =	stileid.u32  }
0xde: {  	s1 =	rddreg [dreg:$0x1];
	p0 =	sne.s32 s2, $0x0  }
0xdf: {  	s3 =	rddreg [dreg:$0x2];
	[bflag:$0x3] =	sbarrier.arrive $0xFFFF;
	s2 =	simm.s32 @!p0 $0x1C02  }
0xe0: {  	[timem:s3], [sflag:s2] =	dma.local @!p0 [hbm:s0], s1  }
0xe1: {  	s0 =	simm.s32 @!p0 $0x2  }
0xe2: {  	_ =	swait.ge @!p0 [sflag:s0], s1  }
0xe3: {  	s1 =	ssub.s32 @!p0 $0x0, s1;
	[sflag:s0] =	ssyncset.done @!p0 $0x0  }
0xe4: {  	[sflag:s0] =	ssyncadd.s32 @!p0 s1  }
0xe5: {  	[bflag:$0x3] =	sbarrier.arrive $0xFFFF  }
0xe6: {  	_ =	shalt  }

// kernel: kernel.7.cloned.1.call-start
scs
__scs_entry_jumppad:
0x0: {  	(pc) =	sbr.rel $0x88, $3  }
0x1: {  	(tag) =	ssettag $0x0;
	lr =	simm.s32 $0x1  }
0x2: {  	[smem:$0x3F9D] =	sst lr;
	_ =	strace $0xD0000000  }
0x3: {  	_ = 	snop  }
0x4: {  	_ = 	snop  }
0x5: {  	_ = 	snop  }
0x6: {  	_ = 	snop  }
0x7: {  	_ = 	snop  }
__scs_overlays_trampoline_lowered:
0x8: {  	[smem:$0x3FAC] =	sst s0  }
0x9: {  	[smem:$0x3FAD] =	sst s1  }
0xa: {  	[smem:$0x3FAE] =	sst s2  }
0xb: {  	[smem:$0x3FAF] =	sst s3  }
0xc: {  	[smem:$0x3FB0] =	sst s4  }
0xd: {  	[smem:$0x3FB1] =	sst s5  }
0xe: {  	[smem:$0x3FB2] =	sst s6  }
0xf: {  	[smem:$0x3FB3] =	sst s7  }
0x10: {  	[smem:$0x3FB4] =	sst s8  }
0x11: {  	[smem:$0x3FB5] =	sst s9;
	s0 =	simm.s32 @!p0 $0x0  }
0x12: {  	s1 =	sld [smem:$0x3F9B];
	s0 =	simm.s32 @p0 $0x1  }
0x13: {  	[smem:$0x3FB6] =	sst s0;
	s0 =	simm.s32 @!p1 $0x0  }
0x14: {  	s2 =	sld [smem:$0x3F9A];
	s0 =	simm.s32 @p1 $0x1  }
0x15: {  	[smem:$0x3FB7] =	sst s0;
	s0 =	simm.s32 @!p2 $0x0  }
0x16: {  	s3 =	sld [smem:$0x3FDB];
	s0 =	simm.s32 @p2 $0x1  }
0x17: {  	s4 =	simm.s32 $0x1BF5;
	[smem:$0x3FB9] =	sst s0  }
0x18: {  	s0 =	sld [smem:$0x3F9C];
	_ =	swait.ge [sflag:s4], $0x0  }
0x19: {  	s7 =	sld [smem:$0x3F9D]  }
0x1a: {  	s8 =	sadd.s32 $0xFFFFE003, lr  }
0x1b: {  	s9 =	sadd.s32 $0xFFFFFEF7, lr;
	s5 =	simm.s32 $0xFFFFFFFF;
	p2 =	slt.u32 s8, $0xFFFFF086  }
0x1c: {  	p1 =	slt.u32 s9, $0xF7A;
	s5 =	simm.s32 @!p2 $0x0  }
0x1d: {  	s5 =	simm.s32 @p1 $0x1;
	p0 =	seq.s32 s7, s2  }
0x1e: {  	s7 =	smul.u32 @!p0 $0xF7A, s2;
	p2 =	seq.s32 @!p0 s5, $0x0  }
0x1f: {  	s9 =	smul.u32 $0xF7A, s1;
	s8 =	simm.s32 @!p0 $0x1BF5;
	p2 =	por !p2, p0  }
0x20: {  	[sflag:s8] =	ssyncset.s32 @!p0 $0xFFFFF086;
	s6 =	sadd.s32 @!p0 s3, s7;
	s7 =	simm.s32 @!p0 $0x108  }
0x21: {  	s3 =	sadd.s32 s3, s9;
	s6 =	sadd.s32 @!p0 $0x88, s6;
	s7 =	simm.s32 @p2 $0x1082  }
0x22: {  	[simem:s7], [sflag:s8] =	dma.local @!p0 [hbm:s6], $0xF7A  }
0x23: {  	s9 =	sor.u32 $0xD0000000, s2;
	s6 =	simm.s32 $0x108;
	_ =	swait.ge @!p0 [sflag:s8], $0x0  }
0x24: {  	s3 =	sadd.s32 $0x88, s3;
	s6 =	simm.s32 @!p1 $0x1082;
	[sflag:s4] =	ssyncset.s32 $0xFFFFF086  }
0x25: {  	[simem:s6], [sflag:s4] =	dma.local [hbm:s3], $0xF7A  }
0x26: {  	[smem:$0x3F9D] =	sst s1;
	(tag) =	ssettag s2;
	_ =	strace s9  }
0x27: {  	s1 =	sld [smem:$0x3FAD]  }
0x28: {  	s2 =	sld [smem:$0x3FAE]  }
0x29: {  	s4 =	sld [smem:$0x3FB0]  }
0x2a: {  	p0 =	seq.s32 s5, $0x0;
	s5 =	sld [smem:$0x3FB1]  }
0x2b: {  	s6 =	sld [smem:$0x3FB2]  }
0x2c: {  	s7 =	sld [smem:$0x3FB3]  }
0x2d: {  	s3 =	simm.s32 $0x108;
	s8 =	sld [smem:$0x3FB4]  }
0x2e: {  	s3 =	simm.s32 @!p0 $0x1082;
	s9 =	sld [smem:$0x3FB5]  }
0x2f: {  	lr =	sadd.s32 s0, s3;
	s0 =	sld [smem:$0x3FAC]  }
0x30: {  	s3 =	sld [smem:$0x3FAF]  }
0x31: {  	[smem:$0x3FB8] =	sst s10  }
0x32: {  	s10 =	sld [smem:$0x3FB6];
	_ =	sdelay $0x3  }
0x33: {  	p0 =	seq.s32 s10, $0x1;
	s10 =	sld [smem:$0x3FB8];
	_ =	sdelay $0x3  }
0x34: {  	[smem:$0x3FB8] =	sst s10  }
0x35: {  	s10 =	sld [smem:$0x3FB7];
	_ =	sdelay $0x3  }
0x36: {  	p1 =	seq.s32 s10, $0x1;
	s10 =	sld [smem:$0x3FB8];
	_ =	sdelay $0x3  }
0x37: {  	[smem:$0x3FB8] =	sst s10  }
0x38: {  	s10 =	sld [smem:$0x3FB9]  }
0x39: {  	_ = 	snop;
	(pc) =	sbr.ind lr, $3  }
0x3a: {  	_ = 	snop  }
0x3b: {  	_ = 	snop  }
0x3c: {  	p2 =	seq.s32 s10, $0x1;
	s10 =	sld [smem:$0x3FB8]  }
0x3d: {  	_ =	shalt  }
0x3e: {  	_ =	shalt  }
0x3f: {  	_ =	shalt  }
0x40: {  	_ =	shalt  }
0x41: {  	_ =	shalt  }
0x42: {  	_ =	shalt  }
0x43: {  	_ =	shalt  }
0x44: {  	_ =	shalt  }
0x45: {  	_ =	shalt  }
0x46: {  	_ =	shalt  }
0x47: {  	_ =	shalt  }
0x48: {  	_ =	shalt  }
0x49: {  	_ =	shalt  }
0x4a: {  	_ =	shalt  }
0x4b: {  	_ =	shalt  }
0x4c: {  	_ =	shalt  }
0x4d: {  	_ =	shalt  }
0x4e: {  	_ =	shalt  }
0x4f: {  	_ =	shalt  }
0x50: {  	_ =	shalt  }
0x51: {  	_ =	shalt  }
0x52: {  	_ =	shalt  }
0x53: {  	_ =	shalt  }
0x54: {  	_ =	shalt  }
0x55: {  	_ =	shalt  }
0x56: {  	_ =	shalt  }
0x57: {  	_ =	shalt  }
0x58: {  	_ =	shalt  }
0x59: {  	_ =	shalt  }
0x5a: {  	_ =	shalt  }
0x5b: {  	_ =	shalt  }
0x5c: {  	_ =	shalt  }
0x5d: {  	_ =	shalt  }
0x5e: {  	_ =	shalt  }
0x5f: {  	_ =	shalt  }
0x60: {  	_ =	shalt  }
0x61: {  	_ =	shalt  }
0x62: {  	_ =	shalt  }
0x63: {  	_ =	shalt  }
0x64: {  	_ =	shalt  }
0x65: {  	_ =	shalt  }
0x66: {  	_ =	shalt  }
0x67: {  	_ =	shalt  }
0x68: {  	_ =	shalt  }
0x69: {  	_ =	shalt  }
0x6a: {  	_ =	shalt  }
0x6b: {  	_ =	shalt  }
0x6c: {  	_ =	shalt  }
0x6d: {  	_ =	shalt  }
0x6e: {  	_ =	shalt  }
0x6f: {  	_ =	shalt  }
0x70: {  	_ =	shalt  }
0x71: {  	_ =	shalt  }
0x72: {  	_ =	shalt  }
0x73: {  	_ =	shalt  }
0x74: {  	_ =	shalt  }
0x75: {  	_ =	shalt  }
0x76: {  	_ =	shalt  }
0x77: {  	_ =	shalt  }
0x78: {  	_ =	shalt  }
0x79: {  	_ =	shalt  }
0x7a: {  	_ =	shalt  }
0x7b: {  	_ =	shalt  }
0x7c: {  	_ =	shalt  }
0x7d: {  	_ =	shalt  }
0x7e: {  	_ =	shalt  }
0x7f: {  	_ =	shalt  }
0x80: {  	_ =	shalt  }
0x81: {  	_ =	shalt  }
0x82: {  	_ =	shalt  }
0x83: {  	_ =	shalt  }
0x84: {  	_ =	shalt  }
0x85: {  	_ =	shalt  }
0x86: {  	_ =	shalt  }
0x87: {  	_ =	shalt  }
.Lfunc_end0:
.L_simem_size_0:
called_computation_lowered:
.L_overlay_start_0:
0x88: {  	s2 =	sld [smem:$0x3FD9]  }
0x89: {  	s3 =	sld [smem:$0x3FFE];
	_ =	sdelay $0x1  }
0x8a: {  	s1 =	srdreg.scid  }
0x8b: {  	s0 =	sand.u32 $0x1, s1  }
0x8c: {  	s17 =	sshll.u32 s0, $0xA;
	s2 =	sadd.s32 s3, s2  }
0x8d: {  	s2 =	sadd.s32 s2, s17  }
0x8e: {  	[smem:$0x3FC4] =	sst s2  }
0x8f: {  	_ = 	snop  }
0x90: {  	s2 =	sld [smem:$0x3FD0];
	(tm) =	ssettm $0x1  }
0x91: {  	s18 =	sld [smem:$0x3FFB];
	_ =	sdelay $0x3  }
0x92: {  	_ =	strace s18  }
0x93: {  	s3 =	sld [smem:$0x3FFC];
	_ =	sdelay $0x3  }
0x94: {  	_ =	strace s3  }
0x95: {  	s3 =	sld [smem:$0x3FFD];
	_ =	sdelay $0x3  }
0x96: {  	_ =	strace s3  }
0x97: {  	_ =	strace $0x8FFFFFFF  }
0x98: {  	s19 =	sld [smem:$0x3FDB];
	_ =	sdelay $0x1  }
0x99: {  	s4 =	simm.s32 $_scs_section_size  }
0x9a: {  	s5 =	simm.s32 $_size__tile_overlayer_lowered;
	s6 =	simm.s32 $_tile_overlayer_lowered  }
0x9b: {  	s22 =	simm.s32 $0x1BFF;
	s21 =	sshll.u32 s6, $0x1;
	s3 =	sadd.s32 s4, s19  }
0x9c: {  	s7 =	simm.s32 $0x0;
	s20 =	sshll.u32 s5, $0x1;
	s5 =	sadd.s32 s21, s3  }
0x9d: {  	[timem:s7], [sflag:s22] =	dma.local [hbm:s5], s20  }
0x9e: {  	_ =	swait.ge [sflag:s22], s20  }
0x9f: {  	s4 =	ssub.s32 $0x0, s20;
	[sflag:s22] =	ssyncset.done $0x0  }
0xa0: {  	[sflag:s22] =	ssyncadd.s32 s4;
	_ =	sdelay $0x1  }
0xa1: {  	s23 =	simm.s32 $0x1B8B  }
0xa2: {  	_ =	swait.ge [sflag:s23], $0x1  }
0xa3: {  	[sflag:s23] =	ssyncset.done $0x0  }
0xa4: {  	s25 =	simm.s32 $0x1B8E;
	s24 =	sld [smem:$0x3FFE];
	[sflag:s23] =	ssyncadd.s32 $0xFFFFFFFF  }
0xa5: {  	s26 =	simm.s32 $execute0_lowered;
	[smem:$0x3FD2] =	sst s25  }
0xa6: {  	s5 =	sshll.u32 s26, $0x1;
	_ =	strace $0x80000046;
	[dreg:$0x1] =	wrdreg $0xFFFFFFFF  }
0xa7: {  	s28 =	simm.s32 $_size_execute0_lowered;
	s3 =	sadd.s32 s3, s5;
	[dreg:$0x0] =	wrdreg $0x0  }
0xa8: {  	s5 =	sshll.u32 s28, $0x1;
	[dreg:$0x2] =	wrdreg s3  }
0xa9: {  	[dreg:$0x3] =	wrdreg s5  }
0xaa: {  	[dreg:$0x4] =	wrdreg $0xC0  }
0xab: {  	_ =	task [dreg:s7], $0x5FFFF  }
0xac: {  	[dreg:$0x1] =	wrdreg $0xFFFFFFFF  }
0xad: {  	[dreg:$0x0] =	wrdreg $0x60  }
0xae: {  	[dreg:$0x2] =	wrdreg s2  }
0xaf: {  	[dreg:$0x3] =	wrdreg s24  }
0xb0: {  	[dreg:$0x4] =	wrdreg $0x9  }
0xb1: {  	_ =	task.clear_ibuf [dreg:s7], $0x5FFFF;
	_ =	strace $0x90000046  }
0xb2: {  	s29 =	simm.s32 $0x9;
	_ =	strace $0x80000048  }
0xb3: {  	_ =	swait.ge [sflag:s29], $0x1  }
0xb4: {  	[sflag:s29] =	ssyncadd.s32 $0xFFFFFFFF  }
0xb5: {  	_ =	strace $0x90000048  }
0xb6: {  	_ =	sfence  }
0xb7: {  	s30 =	sld [smem:$0x0];
	_ =	sdelay $0x2  }
0xb8: {  	s31 =	sshll.u32 s1, $0xD;
	s1 =	sshrl.u32 s1, $0x2  }
0xb9: {  	s3 =	sand.u32 $0x4000, s31;
	s1 =	sadd.s32 s1, s30  }
0xba: {  	s0 =	sor.u32 s3, s0;
	s1 =	sshll.u32 s1, $0x11  }
0xbb: {  	s0 =	sor.u32 s1, s0  }
0xbc: {  	s0 =	sadd.s32 $0x8F2B, s0  }
0xbd: {  	[sflag:s0] =	ssyncadd.remote.s32 $0x1  }
0xbe: {  	_ =	sfence.sel $0xFFFF  }
0xbf: {  	[dreg:$0x0] =	wrdreg $0xFFFFFFFF;
	(pc) =	sbr.abs _section_cstart, $3  }
0xc0: {  	[dreg:$0x1] =	wrdreg $0xFFFFFFFF  }
0xc1: {  	_ =	task.clear_ibuf [dreg:s7], $0x2FFFF;
	_ =	strace $0x9FFFFFFF  }
0xc2: {  	(tm) =	ssettm $0x7FFFFFFF  }
0xc3: {  	_ =	shalt  }
tec
execute0_lowered:
.L_overlay_start_1:
0x0: {  	(tag) =	ssettag $0x1  }
0x1: {  	s1 =	srdreg.scid;
	s4 =	rddreg [dreg:$0x0]  }
0x2: {  	s0 =	stileid.u32;
	s7 =	rddreg [dreg:$0x1]  }
0x3: {  	s2 =	simm.s32 $0x0;
	s10 =	simm.s32 $0x8000;
	s11 =	simm.s32 $0x8080  }
0x4: {  	s12 =	simm.s32 $0x800;
	s13 =	simm.s32 $0x1000;
	s14 =	simm.s32 $0x1800  }
0x5: {  	s15 =	simm.s32 $0x2000;
	s16 =	simm.s32 $0x2800;
	s17 =	simm.s32 $0x3000  }
0x6: {  	s18 =	simm.s32 $0x3800;
	s19 =	simm.s32 $0x4000;
	s20 =	simm.s32 $0x4800  }
0x7: {  	s21 =	simm.s32 $0x5000;
	s22 =	simm.s32 $0x5800;
	s23 =	simm.s32 $0x6000  }
0x8: {  	s24 =	simm.s32 $0x6800;
	s25 =	simm.s32 $0x7000;
	s26 =	simm.s32 $0x7800  }
0x9: {  	s28 =	simm.s32 $0x1;
	s3 =	sand.u32 $0x1, s1;
	s1 =	rddreg [dreg:$0x2]  }
0xa: {  	s5 =	sshll.u32 s0, $0x7;
	[smem:$0x7FF] =	sst s2;
	s6 =	sshll.u32 s3, $0x6  }
0xb: {  	s8 =	ssub.s32 $0x2, s3;
	_ =	strace $0x80000047;
	s5 =	sor.u32 s6, s5  }
0xc: {  	s3 =	sadd.s32 $0x8C00, s7;
	s9 =	sshrl.u32 s8, $0x1;
	s6 =	sshrl.u32 s5, $0x3  }
0xd: {  	v2 =	vlaneseq.u32;
	s8 =	ssub.s32 s8, s9;
	s5 =	sshll.u32 s5, $0x6;
	s9 =	simm.s32 $0x2  }
0xe: {  	vm0 =	vmmov $0xffff;
	v1 =	vshrl.u32 v2, $0x3;
	s6 =	sadd.s32 s6, s7;
	s4 =	sadd.s32 s4, s5;
	s7 =	sadd.s32 $0x8D00, s7  }
0xf: {  	v0 =	vand.u32 $0x7, v2;
	v2 =	vor.u32 $0x8, v2;
	v1 =	vmul.u32 $0x8, v1;
	s8 =	smax.u32 s8, $0x1;
	s5 =	sadd.s32 $0x8800, s6;
	s6 =	sadd.s32 $0x8A00, s6  }
.LBB2_1:
0x10: {  	[tilespmem:s2], [sflag:$0x2] =	stream.linear.gather [hbm4b:s4+s2], $0x8000, $0x38;
	[tilespmem:$0x8100] =	vst v63  }
0x11: {  	_ =	swait.ge [sflag:s9], $0x8000  }
0x12: {  	[sflag:s9] =	ssyncset.done $0x0  }
0x13: {  	[sflag:s9] =	ssyncadd.s32 $0xFFFF8000  }
0x14: {  	[tilespmem:s10], [sflag:$0x2] =	stream.linear.gather [hbm4b:s5+s2], $0x40, $0x38;
	[tilespmem:$0x8100] =	vst v63  }
0x15: {  	_ =	swait.ge [sflag:s9], $0x40  }
0x16: {  	[sflag:s9] =	ssyncset.done $0x0  }
0x17: {  	[sflag:s9] =	ssyncadd.s32 $0xFFFFFFC0  }
0x18: {  	[tilespmem:s11], [sflag:$0x2] =	stream.linear.gather [hbm4b:s6+s2], $0x40, $0x38;
	[tilespmem:$0x8100] =	vst v63  }
0x19: {  	_ =	swait.ge [sflag:s9], $0x40  }
0x1a: {  	[sflag:s9] =	ssyncset.done $0x0  }
0x1b: {  	[sflag:s9] =	ssyncadd.s32 $0xFFFFFFC0  }
0x1c: {  	v3 =	vld [tilespmem:$0x8000];
	_ =	sdelay $0x4  }
0x1d: {  	v4 =	vshll.u32 v3, $0x2  }
0x1e: {  	v3 =	vand.u32 $0x7, v3;
	v4 =	vand.u32 $0xFFFFFFE0, v4  }
0x1f: {  	v3 =	vor.u32 v3, v4  }
0x20: {  	v4 =	vperm.xlane v3, v0;
	_ =	sdelay $0x1  }
0x21: {  	v4 =	vadd.s32 v1, v4;
	_ =	sdelay $0x1  }
0x22: {  	v3 =	vperm.xlane v3, v2;
	_ =	sdelay $0x1  }
0x23: {  	v3 =	vadd.s32 v1, v3  }
0x24: {  	[hbm4b:s3+s2] =	stream.indirect_vreg.scatter [tilespmem:s2], [sflag:$0x1], $0x80, v4, vm0, $0xb8;
	[tilespmem:$0x8100] =	vst v63  }
0x25: {  	_ = 	snop  }
0x26: {  	[hbm4b:s7+s2] =	stream.indirect_vreg.scatter [tilespmem:s12], [sflag:$0x1], $0x80, v4, vm0, $0xb8;
	[tilespmem:$0x8100] =	vst v63  }
0x27: {  	_ = 	snop  }
0x28: {  	[hbm4b:s3+s2] =	stream.indirect_vreg.scatter [tilespmem:s13], [sflag:$0x1], $0x80, v3, vm0, $0xb8;
	[tilespmem:$0x8100] =	vst v63  }
0x29: {  	_ = 	snop  }
0x2a: {  	[hbm4b:s7+s2] =	stream.indirect_vreg.scatter [tilespmem:s14], [sflag:$0x1], $0x80, v3, vm0, $0xb8;
	[tilespmem:$0x8100] =	vst v63  }
0x2b: {  	v3 =	vld [tilespmem:$0x8010];
	_ =	sdelay $0x4  }
0x2c: {  	v57 =	vshll.u32 v3, $0x2  }
0x2d: {  	v3 =	vand.u32 $0x7, v3;
	v4 =	vand.u32 $0xFFFFFFE0, v57  }
0x2e: {  	v3 =	vor.u32 v3, v4  }
0x2f: {  	v4 =	vperm.xlane v3, v0;
	_ =	sdelay $0x1  }
0x30: {  	v4 =	vadd.s32 v1, v4;
	_ =	sdelay $0x1  }
0x31: {  	v3 =	vperm.xlane v3, v2;
	_ =	sdelay $0x1  }
0x32: {  	v3 =	vadd.s32 v1, v3  }
0x33: {  	[hbm4b:s3+s2] =	stream.indirect_vreg.scatter [tilespmem:s15], [sflag:$0x1], $0x80, v4, vm0, $0xb8;
	[tilespmem:$0x8100] =	vst v63  }
0x34: {  	_ = 	snop  }
0x35: {  	[hbm4b:s7+s2] =	stream.indirect_vreg.scatter [tilespmem:s16], [sflag:$0x1], $0x80, v4, vm0, $0xb8;
	[tilespmem:$0x8100] =	vst v63  }
0x36: {  	_ = 	snop  }
0x37: {  	[hbm4b:s3+s2] =	stream.indirect_vreg.scatter [tilespmem:s17], [sflag:$0x1], $0x80, v3, vm0, $0xb8;
	[tilespmem:$0x8100] =	vst v63  }
0x38: {  	_ = 	snop  }
0x39: {  	[hbm4b:s7+s2] =	stream.indirect_vreg.scatter [tilespmem:s18], [sflag:$0x1], $0x80, v3, vm0, $0xb8;
	[tilespmem:$0x8100] =	vst v63  }
0x3a: {  	v3 =	vld [tilespmem:$0x8020];
	_ =	sdelay $0x4  }
0x3b: {  	v58 =	vshll.u32 v3, $0x2  }
0x3c: {  	v3 =	vand.u32 $0x7, v3;
	v4 =	vand.u32 $0xFFFFFFE0, v58  }
0x3d: {  	v3 =	vor.u32 v3, v4  }
0x3e: {  	v4 =	vperm.xlane v3, v0;
	_ =	sdelay $0x1  }
0x3f: {  	v4 =	vadd.s32 v1, v4;
	_ =	sdelay $0x1  }
0x40: {  	v3 =	vperm.xlane v3, v2;
	_ =	sdelay $0x1  }
0x41: {  	v3 =	vadd.s32 v1, v3  }
0x42: {  	[hbm4b:s3+s2] =	stream.indirect_vreg.scatter [tilespmem:s19], [sflag:$0x1], $0x80, v4, vm0, $0xb8;
	[tilespmem:$0x8100] =	vst v63  }
0x43: {  	_ = 	snop  }
0x44: {  	[hbm4b:s7+s2] =	stream.indirect_vreg.scatter [tilespmem:s20], [sflag:$0x1], $0x80, v4, vm0, $0xb8;
	[tilespmem:$0x8100] =	vst v63  }
0x45: {  	_ = 	snop  }
0x46: {  	[hbm4b:s3+s2] =	stream.indirect_vreg.scatter [tilespmem:s21], [sflag:$0x1], $0x80, v3, vm0, $0xb8;
	[tilespmem:$0x8100] =	vst v63  }
0x47: {  	_ = 	snop  }
0x48: {  	[hbm4b:s7+s2] =	stream.indirect_vreg.scatter [tilespmem:s22], [sflag:$0x1], $0x80, v3, vm0, $0xb8;
	[tilespmem:$0x8100] =	vst v63  }
0x49: {  	v3 =	vld [tilespmem:$0x8030];
	_ =	sdelay $0x4  }
0x4a: {  	v59 =	vshll.u32 v3, $0x2  }
0x4b: {  	v3 =	vand.u32 $0x7, v3;
	v4 =	vand.u32 $0xFFFFFFE0, v59  }
0x4c: {  	v3 =	vor.u32 v3, v4  }
0x4d: {  	v4 =	vperm.xlane v3, v0;
	_ =	sdelay $0x1  }
0x4e: {  	v4 =	vadd.s32 v1, v4;
	_ =	sdelay $0x1  }
0x4f: {  	v3 =	vperm.xlane v3, v2;
	_ =	sdelay $0x1  }
0x50: {  	v3 =	vadd.s32 v1, v3  }
0x51: {  	[hbm4b:s3+s2] =	stream.indirect_vreg.scatter [tilespmem:s23], [sflag:$0x1], $0x80, v4, vm0, $0xb8;
	[tilespmem:$0x8100] =	vst v63  }
0x52: {  	_ = 	snop  }
0x53: {  	[hbm4b:s7+s2] =	stream.indirect_vreg.scatter [tilespmem:s24], [sflag:$0x1], $0x80, v4, vm0, $0xb8;
	[tilespmem:$0x8100] =	vst v63  }
0x54: {  	_ = 	snop  }
0x55: {  	[hbm4b:s3+s2] =	stream.indirect_vreg.scatter [tilespmem:s25], [sflag:$0x1], $0x80, v3, vm0, $0xb8;
	[tilespmem:$0x8100] =	vst v63  }
0x56: {  	_ = 	snop  }
0x57: {  	[hbm4b:s7+s2] =	stream.indirect_vreg.scatter [tilespmem:s26], [sflag:$0x1], $0x80, v3, vm0, $0xb8;
	[tilespmem:$0x8100] =	vst v63  }
0x58: {  	v3 =	vld [tilespmem:$0x8080];
	_ =	sdelay $0x4  }
0x59: {  	v60 =	vshll.u32 v3, $0x2  }
0x5a: {  	v3 =	vand.u32 $0x7, v3;
	v4 =	vand.u32 $0xFFFFFFE0, v60  }
0x5b: {  	v3 =	vor.u32 v3, v4  }
0x5c: {  	v4 =	vperm.xlane v3, v0;
	_ =	sdelay $0x1  }
0x5d: {  	v4 =	vadd.s32 v1, v4;
	_ =	sdelay $0x1  }
0x5e: {  	v3 =	vperm.xlane v3, v2;
	_ =	sdelay $0x1  }
0x5f: {  	v3 =	vadd.s32 v1, v3  }
0x60: {  	[hbm4b:s3+s2] =	stream.indirect_vreg.scatter [tilespmem:s2], [sflag:$0x1], $0x80, v4, vm0, $0xb8;
	[tilespmem:$0x8100] =	vst v63  }
0x61: {  	_ = 	snop  }
0x62: {  	[hbm4b:s7+s2] =	stream.indirect_vreg.scatter [tilespmem:s12], [sflag:$0x1], $0x80, v4, vm0, $0xb8;
	[tilespmem:$0x8100] =	vst v63  }
0x63: {  	_ = 	snop  }
0x64: {  	[hbm4b:s3+s2] =	stream.indirect_vreg.scatter [tilespmem:s13], [sflag:$0x1], $0x80, v3, vm0, $0xb8;
	[tilespmem:$0x8100] =	vst v63  }
0x65: {  	_ = 	snop  }
0x66: {  	[hbm4b:s7+s2] =	stream.indirect_vreg.scatter [tilespmem:s14], [sflag:$0x1], $0x80, v3, vm0, $0xb8;
	[tilespmem:$0x8100] =	vst v63  }
0x67: {  	v3 =	vld [tilespmem:$0x8090];
	_ =	sdelay $0x4  }
0x68: {  	v61 =	vshll.u32 v3, $0x2  }
0x69: {  	v3 =	vand.u32 $0x7, v3;
	v4 =	vand.u32 $0xFFFFFFE0, v61  }
0x6a: {  	v3 =	vor.u32 v3, v4  }
0x6b: {  	v4 =	vperm.xlane v3, v0;
	_ =	sdelay $0x1  }
0x6c: {  	v4 =	vadd.s32 v1, v4;
	_ =	sdelay $0x1  }
0x6d: {  	v3 =	vperm.xlane v3, v2;
	_ =	sdelay $0x1  }
0x6e: {  	v3 =	vadd.s32 v1, v3  }
0x6f: {  	[hbm4b:s3+s2] =	stream.indirect_vreg.scatter [tilespmem:s15], [sflag:$0x1], $0x80, v4, vm0, $0xb8;
	[tilespmem:$0x8100] =	vst v63  }
0x70: {  	_ = 	snop  }
0x71: {  	[hbm4b:s7+s2] =	stream.indirect_vreg.scatter [tilespmem:s16], [sflag:$0x1], $0x80, v4, vm0, $0xb8;
	[tilespmem:$0x8100] =	vst v63  }
0x72: {  	_ = 	snop  }
0x73: {  	[hbm4b:s3+s2] =	stream.indirect_vreg.scatter [tilespmem:s17], [sflag:$0x1], $0x80, v3, vm0, $0xb8;
	[tilespmem:$0x8100] =	vst v63  }
0x74: {  	_ = 	snop  }
0x75: {  	[hbm4b:s7+s2] =	stream.indirect_vreg.scatter [tilespmem:s18], [sflag:$0x1], $0x80, v3, vm0, $0xb8;
	[tilespmem:$0x8100] =	vst v63  }
0x76: {  	v3 =	vld [tilespmem:$0x80A0];
	_ =	sdelay $0x4  }
0x77: {  	v62 =	vshll.u32 v3, $0x2  }
0x78: {  	v3 =	vand.u32 $0x7, v3;
	v4 =	vand.u32 $0xFFFFFFE0, v62  }
0x79: {  	v3 =	vor.u32 v3, v4  }
0x7a: {  	v4 =	vperm.xlane v3, v0;
	_ =	sdelay $0x1  }
0x7b: {  	v4 =	vadd.s32 v1, v4;
	_ =	sdelay $0x1  }
0x7c: {  	v3 =	vperm.xlane v3, v2;
	_ =	sdelay $0x1  }
0x7d: {  	v3 =	vadd.s32 v1, v3  }
0x7e: {  	[hbm4b:s3+s2] =	stream.indirect_vreg.scatter [tilespmem:s19], [sflag:$0x1], $0x80, v4, vm0, $0xb8;
	[tilespmem:$0x8100] =	vst v63  }
0x7f: {  	_ = 	snop  }
0x80: {  	[hbm4b:s7+s2] =	stream.indirect_vreg.scatter [tilespmem:s20], [sflag:$0x1], $0x80, v4, vm0, $0xb8;
	[tilespmem:$0x8100] =	vst v63  }
0x81: {  	_ = 	snop  }
0x82: {  	[hbm4b:s3+s2] =	stream.indirect_vreg.scatter [tilespmem:s21], [sflag:$0x1], $0x80, v3, vm0, $0xb8;
	[tilespmem:$0x8100] =	vst v63  }
0x83: {  	_ = 	snop  }
0x84: {  	[hbm4b:s7+s2] =	stream.indirect_vreg.scatter [tilespmem:s22], [sflag:$0x1], $0x80, v3, vm0, $0xb8;
	[tilespmem:$0x8100] =	vst v63  }
0x85: {  	v3 =	vld [tilespmem:$0x80B0];
	_ =	sdelay $0x4  }
0x86: {  	v63 =	vshll.u32 v3, $0x2  }
0x87: {  	v3 =	vand.u32 $0x7, v3;
	v4 =	vand.u32 $0xFFFFFFE0, v63  }
0x88: {  	v3 =	vor.u32 v3, v4  }
0x89: {  	v4 =	vperm.xlane v3, v0;
	_ =	sdelay $0x1  }
0x8a: {  	v4 =	vadd.s32 v1, v4;
	_ =	sdelay $0x1  }
0x8b: {  	v3 =	vperm.xlane v3, v2;
	_ =	sdelay $0x1  }
0x8c: {  	v3 =	vadd.s32 v1, v3  }
0x8d: {  	[hbm4b:s3+s2] =	stream.indirect_vreg.scatter [tilespmem:s23], [sflag:$0x1], $0x80, v4, vm0, $0xb8;
	[tilespmem:$0x8100] =	vst v63  }
0x8e: {  	_ = 	snop  }
0x8f: {  	[hbm4b:s7+s2] =	stream.indirect_vreg.scatter [tilespmem:s24], [sflag:$0x1], $0x80, v4, vm0, $0xb8;
	[tilespmem:$0x8100] =	vst v63  }
0x90: {  	_ = 	snop  }
0x91: {  	[hbm4b:s3+s2] =	stream.indirect_vreg.scatter [tilespmem:s25], [sflag:$0x1], $0x80, v3, vm0, $0xb8;
	[tilespmem:$0x8100] =	vst v63  }
0x92: {  	_ = 	snop  }
0x93: {  	[hbm4b:s7+s2] =	stream.indirect_vreg.scatter [tilespmem:s26], [sflag:$0x1], $0x80, v3, vm0, $0xb8;
	[tilespmem:$0x8100] =	vst v63  }
0x94: {  	p0 =	sne.s32 s8, $0x1;
	_ =	swait.ge [sflag:s28], $0x8000  }
.Ltmp0:
0x95: {  	[sflag:s28] =	ssyncset.done $0x0;
	(pc) =	sbr.rel @p0 .LBB2_1-.Ltmp0, $4  }
0x96: {  	[sflag:s28] =	ssyncadd.s32 $0xFFFF8000  }
0x97: {  	_ =	swait.ge [sflag:s28], $0x8000  }
0x98: {  	[sflag:s28] =	ssyncset.done $0x0  }
0x99: {  	s8 =	sadd.s32 $0xFFFFFFFF, s8;
	[sflag:s28] =	ssyncadd.s32 $0xFFFF8000  }
0x9a: {  	_ =	sfence.sel $0x180000  }
0x9b: {  	[bflag:$0x0] =	sbarrier.arrive $0xFFFF  }
0x9c: {  	p0 =	sne.s32 s0, $0x0;
	_ =	strace $0x90000047  }
0x9d: {  	s0 =	sadd.s32 @!p0 $0x100000, s1;
	[bflag:$0x2] =	sbarrier.arrive $0xFFFF  }
0x9e: {  	[sflag:s0] =	ssyncadd.tile.s32 @!p0 $0x1;
	_ =	shalt  }
.Lfunc_end2:
_tile_overlayer_lowered:
.L_overlay_start_2:
0x9f: {  	(tag) =	ssettag $0x2  }
0xa0: {  	s0 =	rddreg [dreg:$0x0];
	s2 =	stileid.u32  }
0xa1: {  	s1 =	rddreg [dreg:$0x1];
	p0 =	sne.s32 s2, $0x0  }
0xa2: {  	s3 =	rddreg [dreg:$0x2];
	[bflag:$0x3] =	sbarrier.arrive $0xFFFF;
	s2 =	simm.s32 @!p0 $0x1C02  }
0xa3: {  	[timem:s3], [sflag:s2] =	dma.local @!p0 [hbm:s0], s1  }
0xa4: {  	s0 =	simm.s32 @!p0 $0x2  }
0xa5: {  	_ =	swait.ge @!p0 [sflag:s0], s1  }
0xa6: {  	s1 =	ssub.s32 @!p0 $0x0, s1;
	[sflag:s0] =	ssyncset.done @!p0 $0x0  }
0xa7: {  	[sflag:s0] =	ssyncadd.s32 @!p0 s1  }
0xa8: {  	[bflag:$0x3] =	sbarrier.arrive $0xFFFF  }
0xa9: {  	_ =	shalt  }

</sc_bundles>
